<compile_context>
chip_gen: v7x
topology: tpu7x:2x2x1
jax: 0.10.2.dev20260603
libtpu: 0.0.44.dev20260713+nightly
codegen_flags: <defaults>
</compile_context>

<pallas_src>
import jax
import jax.numpy as jnp
from jax import lax
from jax.experimental import pallas as pl
from jax.experimental.pallas import tpu as pltpu
from jax.experimental.pallas import tpu_sc as plsc

VOCAB = 49408
EMBED = 768
MAX_LEN = 77
BATCH = 1024

NC, NS = 2, 16
NW = NC * NS
ROWS = BATCH * MAX_LEN
WROWS = ROWS // NW
CR = 16
NCH = WROWS // CR
SUB = EMBED // 16


def _sc_body(tok_hbm, posn_hbm, ttab_hbm, ptab_hbm, out_hbm,
             idx_t, idx_p, ptab_v, b0, b1,
             g0, g1, s0, s1):
    bufs = (b0, b1)
    gs = (g0, g1)
    ss = (s0, s1)

    wid = lax.axis_index("s") * NC + lax.axis_index("c")
    base = pl.multiple_of(wid * WROWS, 8)
    pltpu.sync_copy(tok_hbm.at[pl.ds(base, WROWS)],
                    idx_t.at[pl.ds(0, WROWS)])
    pltpu.sync_copy(posn_hbm.at[pl.ds(base, WROWS)],
                    idx_p.at[pl.ds(0, WROWS)])
    pltpu.sync_copy(ptab_hbm, ptab_v)

    def issue_gather(c, par):
        pltpu.async_copy(
            ttab_hbm.at[idx_t.at[pl.ds(pl.multiple_of(c * CR, 8), CR)]],
            bufs[par], gs[par])

    def wait_gather(par):
        pltpu.make_async_copy(ttab_hbm.at[idx_t.at[pl.ds(0, CR)]],
                              bufs[par], gs[par]).wait()

    def issue_store(c, par):
        pltpu.async_copy(
            bufs[par],
            out_hbm.at[pl.ds(pl.multiple_of(base + c * CR, 8), CR)],
            ss[par])

    def wait_store(par):
        pltpu.make_async_copy(bufs[par], out_hbm.at[pl.ds(0, CR)],
                              ss[par]).wait()

    cols = [jnp.arange(16, dtype=jnp.int32) + 16 * g for g in range(SUB)]

    def compute_chunk(c, par):
        p_vec = idx_p[pl.ds(pl.multiple_of(c * CR, 8), 16)]

        def row(r, carry):
            pb = p_vec.at[jnp.full((16,), r, dtype=jnp.int32)].get(
                mode="promise_in_bounds")
            for q in range(0, SUB, 8):
                pvs = [plsc.load_gather(ptab_v, [pb + cols[g]])
                       for g in range(q, q + 8)]
                for g in range(q, q + 8):
                    plsc.addupdate(bufs[par].at[r, pl.ds(16 * g, 16)],
                                   pvs[g - q])
            return carry

        lax.fori_loop(0, CR, row, 0)

    issue_gather(0, 0)
    issue_gather(1, 1)

    def pair(c2, carry):
        for par in range(2):
            c = 2 * c2 + par
            wait_gather(par)
            compute_chunk(c, par)
            issue_store(c, par)

            def regather():
                wait_store(par)
                issue_gather(c + 2, par)

            pl.when(c < NCH - 2)(regather)
        return carry

    lax.fori_loop(0, NCH // 2, pair, 0)
    wait_store(0)
    wait_store(1)


def kernel(tokens, positions, token_table, pos_table):
    tok = tokens.reshape(ROWS)
    posn = positions.reshape(ROWS) * EMBED
    ptab = pos_table.reshape(MAX_LEN * EMBED)
    mesh = plsc.VectorSubcoreMesh(
        core_axis_name="c", subcore_axis_name="s",
        num_cores=NC, num_subcores=NS)
    out = pl.kernel(
        _sc_body,
        out_type=jax.ShapeDtypeStruct((ROWS, EMBED), jnp.float32),
        mesh=mesh,
        compiler_params=pltpu.CompilerParams(
            use_tc_tiling_on_sc=False, needs_layout_passes=False),
        scratch_types=[
            pltpu.VMEM((WROWS,), jnp.int32),
            pltpu.VMEM((WROWS + 16,), jnp.int32),
            pltpu.VMEM((MAX_LEN * EMBED,), jnp.float32),
            pltpu.VMEM((CR, EMBED), jnp.float32),
            pltpu.VMEM((CR, EMBED), jnp.float32),
            pltpu.SemaphoreType.DMA,
            pltpu.SemaphoreType.DMA,
            pltpu.SemaphoreType.DMA,
            pltpu.SemaphoreType.DMA,
        ],
    )(tok, posn, token_table, ptab)
    return out.reshape(BATCH, MAX_LEN, EMBED)

# --- scband reference (transcript-rebuilt; emitter-appended) ---
"""Pipeline reference for scband-text-clip-embedding-13924283974222 (READ-ONLY COPY).

The authoritative reference and input builder live on the scoring server;
editing this copy changes nothing except your own understanding.
"""

import jax, jax.numpy as jnp
import numpy as np

VOCAB = 49408
EMBED = 768
MAX_LEN = 77
BATCH = 1024

def setup_inputs(seed: int = 0) -> dict:
    key = jax.random.key(seed)
    k1, k2, k3, k4 = jax.random.split(key, 4)
    tokens = jax.random.randint(k1, (BATCH, MAX_LEN), 0, VOCAB, dtype=jnp.int32)
    positions = jax.random.randint(k2, (BATCH, MAX_LEN), 0, MAX_LEN, dtype=jnp.int32)
    token_table = jax.random.normal(k3, (VOCAB, EMBED), dtype=jnp.float32) * 0.02
    pos_table = jax.random.normal(k4, (MAX_LEN, EMBED), dtype=jnp.float32) * 0.02
    return {"tokens": tokens, "positions": positions, "token_table": token_table, "pos_table": pos_table}

def reference(tokens, positions, token_table, pos_table):
    # token_embedding lookup: gather rows of token_table
    tok_emb = jnp.take(token_table, tokens, axis=0)        # [B, L, EMBED]
    # position_embedding lookup
    pos_emb = jnp.take(pos_table, positions, axis=0)       # [B, L, EMBED]
    return tok_emb + pos_emb

if __name__ == "__main__":
    import jax
    _d = setup_inputs()
    print(jax.jit(kernel)(*tuple(_d.values())))

</pallas_src>

<mosaic_0001>
#map = affine_map<(d0, d1) -> (0)>
#map1 = affine_map<(d0, d1) -> (0, 0)>
module attributes {stable_mosaic.version = 14 : i64} {
  func.func @_sc_body(%arg0: i32, %arg1: i32, %arg2: memref<78848xi32, #tpu.memory_space<hbm>>, %arg3: memref<78848xi32, #tpu.memory_space<hbm>>, %arg4: memref<49408x768xf32, #tpu.memory_space<hbm>>, %arg5: memref<59136xf32, #tpu.memory_space<hbm>>, %arg6: memref<78848x768xf32, #tpu.memory_space<hbm>>, %arg7: memref<2464xi32, #tpu.memory_space<vmem>>, %arg8: memref<2480xi32, #tpu.memory_space<vmem>>, %arg9: memref<59136xf32, #tpu.memory_space<vmem>>, %arg10: memref<16x768xf32, #tpu.memory_space<vmem>>, %arg11: memref<16x768xf32, #tpu.memory_space<vmem>>, %arg12: memref<!tpu.dma_semaphore, #tpu.memory_space<semaphore_mem>>, %arg13: memref<!tpu.dma_semaphore, #tpu.memory_space<semaphore_mem>>, %arg14: memref<!tpu.dma_semaphore, #tpu.memory_space<semaphore_mem>>, %arg15: memref<!tpu.dma_semaphore, #tpu.memory_space<semaphore_mem>>) attributes {dimension_semantics = [#tpu.dimension_semantics<core_parallel>, #tpu.dimension_semantics<subcore_parallel>], iteration_bounds = array<i64: 2, 16>, scalar_prefetch = 0 : i64, scratch_operands = 9 : i64, tpu.core_type = #tpu.core_type<sc_vector_subcore>, window_params = [{transform_indices = #map}, {transform_indices = #map}, {transform_indices = #map1}, {transform_indices = #map}, {transform_indices = #map1}]} {
    %mul3A = arith.constant 2 : i32
    %mul3A_0 = arith.muli %arg1, %mul3A : i32
    %add3A = arith.addi %mul3A_0, %arg0 : i32
    %mul3A_1 = arith.constant 2464 : i32
    %mul3A_2 = arith.muli %add3A, %mul3A_1 : i32
    %multiple_of3A = tpu.assume_multiple %mul3A_2, 8 : i32
    "tpu.region"() ({
      %run_scoped3A = tpu.sem_alloc : memref<!tpu.dma_semaphore, #tpu.memory_space<semaphore_mem>>
      %dma_start3A_221 = arith.constant 0 : i32
      %dma_start3A_222 = tpu.memref_slice %arg7[%dma_start3A_221] : memref<2464xi32, #tpu.memory_space<vmem>> -> memref<2464xi32, #tpu.memory_space<vmem>>
      %dma_start3A_223 = tpu.memref_slice %arg2[%multiple_of3A] : memref<78848xi32, #tpu.memory_space<hbm>> -> memref<2464xi32, #tpu.memory_space<hbm>>
      %dma_start3A_224 = arith.constant 0 : i32
      %dma_start3A_225 = tpu.memref_slice %arg7[%dma_start3A_224] : memref<2464xi32, #tpu.memory_space<vmem>> -> memref<2464xi32, #tpu.memory_space<vmem>>
      %dma_start3A_226 = tpu.memref_slice %arg2[%multiple_of3A] : memref<78848xi32, #tpu.memory_space<hbm>> -> memref<2464xi32, #tpu.memory_space<hbm>>
      tpu.enqueue_dma source(%dma_start3A_226 : memref<2464xi32, #tpu.memory_space<hbm>>) target(%dma_start3A_225 : memref<2464xi32, #tpu.memory_space<vmem>>) target_semaphore(%run_scoped3A : memref<!tpu.dma_semaphore, #tpu.memory_space<semaphore_mem>>)
      %dma_wait3A_227 = arith.constant 0 : i32
      %dma_wait3A_228 = tpu.memref_slice %arg7[%dma_wait3A_227] : memref<2464xi32, #tpu.memory_space<vmem>> -> memref<2464xi32, #tpu.memory_space<vmem>>
      %dma_wait3A_229 = tpu.memref_slice %arg2[%multiple_of3A] : memref<78848xi32, #tpu.memory_space<hbm>> -> memref<2464xi32, #tpu.memory_space<hbm>>
      %dma_wait3A_230 = arith.constant 0 : i32
      %dma_wait3A_231 = tpu.memref_slice %arg7[%dma_wait3A_230] : memref<2464xi32, #tpu.memory_space<vmem>> -> memref<2464xi32, #tpu.memory_space<vmem>>
      %dma_wait3A_232 = tpu.memref_slice %arg2[%multiple_of3A] : memref<78848xi32, #tpu.memory_space<hbm>> -> memref<2464xi32, #tpu.memory_space<hbm>>
      tpu.wait_dma2 semaphore(%run_scoped3A : memref<!tpu.dma_semaphore, #tpu.memory_space<semaphore_mem>>) src(%dma_wait3A_232 : memref<2464xi32, #tpu.memory_space<hbm>>) dst(%dma_wait3A_231 : memref<2464xi32, #tpu.memory_space<vmem>>)
      tpu.yield
    }) : () -> ()
    "tpu.region"() ({
      %run_scoped3A = tpu.sem_alloc : memref<!tpu.dma_semaphore, #tpu.memory_space<semaphore_mem>>
      %dma_start3A_221 = arith.constant 0 : i32
      %dma_start3A_222 = tpu.memref_slice %arg8[%dma_start3A_221] : memref<2480xi32, #tpu.memory_space<vmem>> -> memref<2464xi32, #tpu.memory_space<vmem>>
      %dma_start3A_223 = tpu.memref_slice %arg3[%multiple_of3A] : memref<78848xi32, #tpu.memory_space<hbm>> -> memref<2464xi32, #tpu.memory_space<hbm>>
      %dma_start3A_224 = arith.constant 0 : i32
      %dma_start3A_225 = tpu.memref_slice %arg8[%dma_start3A_224] : memref<2480xi32, #tpu.memory_space<vmem>> -> memref<2464xi32, #tpu.memory_space<vmem>>
      %dma_start3A_226 = tpu.memref_slice %arg3[%multiple_of3A] : memref<78848xi32, #tpu.memory_space<hbm>> -> memref<2464xi32, #tpu.memory_space<hbm>>
      tpu.enqueue_dma source(%dma_start3A_226 : memref<2464xi32, #tpu.memory_space<hbm>>) target(%dma_start3A_225 : memref<2464xi32, #tpu.memory_space<vmem>>) target_semaphore(%run_scoped3A : memref<!tpu.dma_semaphore, #tpu.memory_space<semaphore_mem>>)
      %dma_wait3A_227 = arith.constant 0 : i32
      %dma_wait3A_228 = tpu.memref_slice %arg8[%dma_wait3A_227] : memref<2480xi32, #tpu.memory_space<vmem>> -> memref<2464xi32, #tpu.memory_space<vmem>>
      %dma_wait3A_229 = tpu.memref_slice %arg3[%multiple_of3A] : memref<78848xi32, #tpu.memory_space<hbm>> -> memref<2464xi32, #tpu.memory_space<hbm>>
      %dma_wait3A_230 = arith.constant 0 : i32
      %dma_wait3A_231 = tpu.memref_slice %arg8[%dma_wait3A_230] : memref<2480xi32, #tpu.memory_space<vmem>> -> memref<2464xi32, #tpu.memory_space<vmem>>
      %dma_wait3A_232 = tpu.memref_slice %arg3[%multiple_of3A] : memref<78848xi32, #tpu.memory_space<hbm>> -> memref<2464xi32, #tpu.memory_space<hbm>>
      tpu.wait_dma2 semaphore(%run_scoped3A : memref<!tpu.dma_semaphore, #tpu.memory_space<semaphore_mem>>) src(%dma_wait3A_232 : memref<2464xi32, #tpu.memory_space<hbm>>) dst(%dma_wait3A_231 : memref<2464xi32, #tpu.memory_space<vmem>>)
      tpu.yield
    }) : () -> ()
    "tpu.region"() ({
      %run_scoped3A = tpu.sem_alloc : memref<!tpu.dma_semaphore, #tpu.memory_space<semaphore_mem>>
      tpu.enqueue_dma source(%arg5 : memref<59136xf32, #tpu.memory_space<hbm>>) target(%arg9 : memref<59136xf32, #tpu.memory_space<vmem>>) target_semaphore(%run_scoped3A : memref<!tpu.dma_semaphore, #tpu.memory_space<semaphore_mem>>)
      tpu.wait_dma2 semaphore(%run_scoped3A : memref<!tpu.dma_semaphore, #tpu.memory_space<semaphore_mem>>) src(%arg5 : memref<59136xf32, #tpu.memory_space<hbm>>) dst(%arg9 : memref<59136xf32, #tpu.memory_space<vmem>>)
      tpu.yield
    }) : () -> ()
    %iota3A = tpu.iota {dimensions = array<i32: 0>} : vector<16xi32>
    %add3A_3 = arith.constant 0 : i32
    %add3A_4 = vector.broadcast %add3A_3 : i32 to vector<16xi32>
    %add3A_5 = arith.addi %iota3A, %add3A_4 : vector<16xi32>
    %iota3A_6 = tpu.iota {dimensions = array<i32: 0>} : vector<16xi32>
    %add3A_7 = arith.constant 16 : i32
    %add3A_8 = vector.broadcast %add3A_7 : i32 to vector<16xi32>
    %add3A_9 = arith.addi %iota3A_6, %add3A_8 : vector<16xi32>
    %iota3A_10 = tpu.iota {dimensions = array<i32: 0>} : vector<16xi32>
    %add3A_11 = arith.constant 32 : i32
    %add3A_12 = vector.broadcast %add3A_11 : i32 to vector<16xi32>
    %add3A_13 = arith.addi %iota3A_10, %add3A_12 : vector<16xi32>
    %iota3A_14 = tpu.iota {dimensions = array<i32: 0>} : vector<16xi32>
    %add3A_15 = arith.constant 48 : i32
    %add3A_16 = vector.broadcast %add3A_15 : i32 to vector<16xi32>
    %add3A_17 = arith.addi %iota3A_14, %add3A_16 : vector<16xi32>
    %iota3A_18 = tpu.iota {dimensions = array<i32: 0>} : vector<16xi32>
    %add3A_19 = arith.constant 64 : i32
    %add3A_20 = vector.broadcast %add3A_19 : i32 to vector<16xi32>
    %add3A_21 = arith.addi %iota3A_18, %add3A_20 : vector<16xi32>
    %iota3A_22 = tpu.iota {dimensions = array<i32: 0>} : vector<16xi32>
    %add3A_23 = arith.constant 80 : i32
    %add3A_24 = vector.broadcast %add3A_23 : i32 to vector<16xi32>
    %add3A_25 = arith.addi %iota3A_22, %add3A_24 : vector<16xi32>
    %iota3A_26 = tpu.iota {dimensions = array<i32: 0>} : vector<16xi32>
    %add3A_27 = arith.constant 96 : i32
    %add3A_28 = vector.broadcast %add3A_27 : i32 to vector<16xi32>
    %add3A_29 = arith.addi %iota3A_26, %add3A_28 : vector<16xi32>
    %iota3A_30 = tpu.iota {dimensions = array<i32: 0>} : vector<16xi32>
    %add3A_31 = arith.constant 112 : i32
    %add3A_32 = vector.broadcast %add3A_31 : i32 to vector<16xi32>
    %add3A_33 = arith.addi %iota3A_30, %add3A_32 : vector<16xi32>
    %iota3A_34 = tpu.iota {dimensions = array<i32: 0>} : vector<16xi32>
    %add3A_35 = arith.constant 128 : i32
    %add3A_36 = vector.broadcast %add3A_35 : i32 to vector<16xi32>
    %add3A_37 = arith.addi %iota3A_34, %add3A_36 : vector<16xi32>
    %iota3A_38 = tpu.iota {dimensions = array<i32: 0>} : vector<16xi32>
    %add3A_39 = arith.constant 144 : i32
    %add3A_40 = vector.broadcast %add3A_39 : i32 to vector<16xi32>
    %add3A_41 = arith.addi %iota3A_38, %add3A_40 : vector<16xi32>
    %iota3A_42 = tpu.iota {dimensions = array<i32: 0>} : vector<16xi32>
    %add3A_43 = arith.constant 160 : i32
    %add3A_44 = vector.broadcast %add3A_43 : i32 to vector<16xi32>
    %add3A_45 = arith.addi %iota3A_42, %add3A_44 : vector<16xi32>
    %iota3A_46 = tpu.iota {dimensions = array<i32: 0>} : vector<16xi32>
    %add3A_47 = arith.constant 176 : i32
    %add3A_48 = vector.broadcast %add3A_47 : i32 to vector<16xi32>
    %add3A_49 = arith.addi %iota3A_46, %add3A_48 : vector<16xi32>
    %iota3A_50 = tpu.iota {dimensions = array<i32: 0>} : vector<16xi32>
    %add3A_51 = arith.constant 192 : i32
    %add3A_52 = vector.broadcast %add3A_51 : i32 to vector<16xi32>
    %add3A_53 = arith.addi %iota3A_50, %add3A_52 : vector<16xi32>
    %iota3A_54 = tpu.iota {dimensions = array<i32: 0>} : vector<16xi32>
    %add3A_55 = arith.constant 208 : i32
    %add3A_56 = vector.broadcast %add3A_55 : i32 to vector<16xi32>
    %add3A_57 = arith.addi %iota3A_54, %add3A_56 : vector<16xi32>
    %iota3A_58 = tpu.iota {dimensions = array<i32: 0>} : vector<16xi32>
    %add3A_59 = arith.constant 224 : i32
    %add3A_60 = vector.broadcast %add3A_59 : i32 to vector<16xi32>
    %add3A_61 = arith.addi %iota3A_58, %add3A_60 : vector<16xi32>
    %iota3A_62 = tpu.iota {dimensions = array<i32: 0>} : vector<16xi32>
    %add3A_63 = arith.constant 240 : i32
    %add3A_64 = vector.broadcast %add3A_63 : i32 to vector<16xi32>
    %add3A_65 = arith.addi %iota3A_62, %add3A_64 : vector<16xi32>
    %iota3A_66 = tpu.iota {dimensions = array<i32: 0>} : vector<16xi32>
    %add3A_67 = arith.constant 256 : i32
    %add3A_68 = vector.broadcast %add3A_67 : i32 to vector<16xi32>
    %add3A_69 = arith.addi %iota3A_66, %add3A_68 : vector<16xi32>
    %iota3A_70 = tpu.iota {dimensions = array<i32: 0>} : vector<16xi32>
    %add3A_71 = arith.constant 272 : i32
    %add3A_72 = vector.broadcast %add3A_71 : i32 to vector<16xi32>
    %add3A_73 = arith.addi %iota3A_70, %add3A_72 : vector<16xi32>
    %iota3A_74 = tpu.iota {dimensions = array<i32: 0>} : vector<16xi32>
    %add3A_75 = arith.constant 288 : i32
    %add3A_76 = vector.broadcast %add3A_75 : i32 to vector<16xi32>
    %add3A_77 = arith.addi %iota3A_74, %add3A_76 : vector<16xi32>
    %iota3A_78 = tpu.iota {dimensions = array<i32: 0>} : vector<16xi32>
    %add3A_79 = arith.constant 304 : i32
    %add3A_80 = vector.broadcast %add3A_79 : i32 to vector<16xi32>
    %add3A_81 = arith.addi %iota3A_78, %add3A_80 : vector<16xi32>
    %iota3A_82 = tpu.iota {dimensions = array<i32: 0>} : vector<16xi32>
    %add3A_83 = arith.constant 320 : i32
    %add3A_84 = vector.broadcast %add3A_83 : i32 to vector<16xi32>
    %add3A_85 = arith.addi %iota3A_82, %add3A_84 : vector<16xi32>
    %iota3A_86 = tpu.iota {dimensions = array<i32: 0>} : vector<16xi32>
    %add3A_87 = arith.constant 336 : i32
    %add3A_88 = vector.broadcast %add3A_87 : i32 to vector<16xi32>
    %add3A_89 = arith.addi %iota3A_86, %add3A_88 : vector<16xi32>
    %iota3A_90 = tpu.iota {dimensions = array<i32: 0>} : vector<16xi32>
    %add3A_91 = arith.constant 352 : i32
    %add3A_92 = vector.broadcast %add3A_91 : i32 to vector<16xi32>
    %add3A_93 = arith.addi %iota3A_90, %add3A_92 : vector<16xi32>
    %iota3A_94 = tpu.iota {dimensions = array<i32: 0>} : vector<16xi32>
    %add3A_95 = arith.constant 368 : i32
    %add3A_96 = vector.broadcast %add3A_95 : i32 to vector<16xi32>
    %add3A_97 = arith.addi %iota3A_94, %add3A_96 : vector<16xi32>
    %iota3A_98 = tpu.iota {dimensions = array<i32: 0>} : vector<16xi32>
    %add3A_99 = arith.constant 384 : i32
    %add3A_100 = vector.broadcast %add3A_99 : i32 to vector<16xi32>
    %add3A_101 = arith.addi %iota3A_98, %add3A_100 : vector<16xi32>
    %iota3A_102 = tpu.iota {dimensions = array<i32: 0>} : vector<16xi32>
    %add3A_103 = arith.constant 400 : i32
    %add3A_104 = vector.broadcast %add3A_103 : i32 to vector<16xi32>
    %add3A_105 = arith.addi %iota3A_102, %add3A_104 : vector<16xi32>
    %iota3A_106 = tpu.iota {dimensions = array<i32: 0>} : vector<16xi32>
    %add3A_107 = arith.constant 416 : i32
    %add3A_108 = vector.broadcast %add3A_107 : i32 to vector<16xi32>
    %add3A_109 = arith.addi %iota3A_106, %add3A_108 : vector<16xi32>
    %iota3A_110 = tpu.iota {dimensions = array<i32: 0>} : vector<16xi32>
    %add3A_111 = arith.constant 432 : i32
    %add3A_112 = vector.broadcast %add3A_111 : i32 to vector<16xi32>
    %add3A_113 = arith.addi %iota3A_110, %add3A_112 : vector<16xi32>
    %iota3A_114 = tpu.iota {dimensions = array<i32: 0>} : vector<16xi32>
    %add3A_115 = arith.constant 448 : i32
    %add3A_116 = vector.broadcast %add3A_115 : i32 to vector<16xi32>
    %add3A_117 = arith.addi %iota3A_114, %add3A_116 : vector<16xi32>
    %iota3A_118 = tpu.iota {dimensions = array<i32: 0>} : vector<16xi32>
    %add3A_119 = arith.constant 464 : i32
    %add3A_120 = vector.broadcast %add3A_119 : i32 to vector<16xi32>
    %add3A_121 = arith.addi %iota3A_118, %add3A_120 : vector<16xi32>
    %iota3A_122 = tpu.iota {dimensions = array<i32: 0>} : vector<16xi32>
    %add3A_123 = arith.constant 480 : i32
    %add3A_124 = vector.broadcast %add3A_123 : i32 to vector<16xi32>
    %add3A_125 = arith.addi %iota3A_122, %add3A_124 : vector<16xi32>
    %iota3A_126 = tpu.iota {dimensions = array<i32: 0>} : vector<16xi32>
    %add3A_127 = arith.constant 496 : i32
    %add3A_128 = vector.broadcast %add3A_127 : i32 to vector<16xi32>
    %add3A_129 = arith.addi %iota3A_126, %add3A_128 : vector<16xi32>
    %iota3A_130 = tpu.iota {dimensions = array<i32: 0>} : vector<16xi32>
    %add3A_131 = arith.constant 512 : i32
    %add3A_132 = vector.broadcast %add3A_131 : i32 to vector<16xi32>
    %add3A_133 = arith.addi %iota3A_130, %add3A_132 : vector<16xi32>
    %iota3A_134 = tpu.iota {dimensions = array<i32: 0>} : vector<16xi32>
    %add3A_135 = arith.constant 528 : i32
    %add3A_136 = vector.broadcast %add3A_135 : i32 to vector<16xi32>
    %add3A_137 = arith.addi %iota3A_134, %add3A_136 : vector<16xi32>
    %iota3A_138 = tpu.iota {dimensions = array<i32: 0>} : vector<16xi32>
    %add3A_139 = arith.constant 544 : i32
    %add3A_140 = vector.broadcast %add3A_139 : i32 to vector<16xi32>
    %add3A_141 = arith.addi %iota3A_138, %add3A_140 : vector<16xi32>
    %iota3A_142 = tpu.iota {dimensions = array<i32: 0>} : vector<16xi32>
    %add3A_143 = arith.constant 560 : i32
    %add3A_144 = vector.broadcast %add3A_143 : i32 to vector<16xi32>
    %add3A_145 = arith.addi %iota3A_142, %add3A_144 : vector<16xi32>
    %iota3A_146 = tpu.iota {dimensions = array<i32: 0>} : vector<16xi32>
    %add3A_147 = arith.constant 576 : i32
    %add3A_148 = vector.broadcast %add3A_147 : i32 to vector<16xi32>
    %add3A_149 = arith.addi %iota3A_146, %add3A_148 : vector<16xi32>
    %iota3A_150 = tpu.iota {dimensions = array<i32: 0>} : vector<16xi32>
    %add3A_151 = arith.constant 592 : i32
    %add3A_152 = vector.broadcast %add3A_151 : i32 to vector<16xi32>
    %add3A_153 = arith.addi %iota3A_150, %add3A_152 : vector<16xi32>
    %iota3A_154 = tpu.iota {dimensions = array<i32: 0>} : vector<16xi32>
    %add3A_155 = arith.constant 608 : i32
    %add3A_156 = vector.broadcast %add3A_155 : i32 to vector<16xi32>
    %add3A_157 = arith.addi %iota3A_154, %add3A_156 : vector<16xi32>
    %iota3A_158 = tpu.iota {dimensions = array<i32: 0>} : vector<16xi32>
    %add3A_159 = arith.constant 624 : i32
    %add3A_160 = vector.broadcast %add3A_159 : i32 to vector<16xi32>
    %add3A_161 = arith.addi %iota3A_158, %add3A_160 : vector<16xi32>
    %iota3A_162 = tpu.iota {dimensions = array<i32: 0>} : vector<16xi32>
    %add3A_163 = arith.constant 640 : i32
    %add3A_164 = vector.broadcast %add3A_163 : i32 to vector<16xi32>
    %add3A_165 = arith.addi %iota3A_162, %add3A_164 : vector<16xi32>
    %iota3A_166 = tpu.iota {dimensions = array<i32: 0>} : vector<16xi32>
    %add3A_167 = arith.constant 656 : i32
    %add3A_168 = vector.broadcast %add3A_167 : i32 to vector<16xi32>
    %add3A_169 = arith.addi %iota3A_166, %add3A_168 : vector<16xi32>
    %iota3A_170 = tpu.iota {dimensions = array<i32: 0>} : vector<16xi32>
    %add3A_171 = arith.constant 672 : i32
    %add3A_172 = vector.broadcast %add3A_171 : i32 to vector<16xi32>
    %add3A_173 = arith.addi %iota3A_170, %add3A_172 : vector<16xi32>
    %iota3A_174 = tpu.iota {dimensions = array<i32: 0>} : vector<16xi32>
    %add3A_175 = arith.constant 688 : i32
    %add3A_176 = vector.broadcast %add3A_175 : i32 to vector<16xi32>
    %add3A_177 = arith.addi %iota3A_174, %add3A_176 : vector<16xi32>
    %iota3A_178 = tpu.iota {dimensions = array<i32: 0>} : vector<16xi32>
    %add3A_179 = arith.constant 704 : i32
    %add3A_180 = vector.broadcast %add3A_179 : i32 to vector<16xi32>
    %add3A_181 = arith.addi %iota3A_178, %add3A_180 : vector<16xi32>
    %iota3A_182 = tpu.iota {dimensions = array<i32: 0>} : vector<16xi32>
    %add3A_183 = arith.constant 720 : i32
    %add3A_184 = vector.broadcast %add3A_183 : i32 to vector<16xi32>
    %add3A_185 = arith.addi %iota3A_182, %add3A_184 : vector<16xi32>
    %iota3A_186 = tpu.iota {dimensions = array<i32: 0>} : vector<16xi32>
    %add3A_187 = arith.constant 736 : i32
    %add3A_188 = vector.broadcast %add3A_187 : i32 to vector<16xi32>
    %add3A_189 = arith.addi %iota3A_186, %add3A_188 : vector<16xi32>
    %iota3A_190 = tpu.iota {dimensions = array<i32: 0>} : vector<16xi32>
    %add3A_191 = arith.constant 752 : i32
    %add3A_192 = vector.broadcast %add3A_191 : i32 to vector<16xi32>
    %add3A_193 = arith.addi %iota3A_190, %add3A_192 : vector<16xi32>
    %multiple_of3A_194 = arith.constant 0 : i32
    %multiple_of3A_195 = tpu.assume_multiple %multiple_of3A_194, 8 : i32
    %dma_start3A = tpu.memref_slice %arg7[%multiple_of3A_195] : memref<2464xi32, #tpu.memory_space<vmem>> -> memref<16xi32, #tpu.memory_space<vmem>>
    %dma_start3A_196 = arith.constant 0 : i32
    %dma_start3A_197 = arith.constant 0 : i32
    %dma_start3A_198 = tpu.memref_slice %arg4[%dma_start3A_196, %dma_start3A_197] : memref<49408x768xf32, #tpu.memory_space<hbm>> -> memref<49408x768xf32, #tpu.memory_space<hbm>>
    tpu.enqueue_indirect_dma source(%dma_start3A_198 : memref<49408x768xf32, #tpu.memory_space<hbm>>) target(%arg10 : memref<16x768xf32, #tpu.memory_space<vmem>>) offsets(%dma_start3A : memref<16xi32, #tpu.memory_space<vmem>>) semaphore(%arg12 : memref<!tpu.dma_semaphore, #tpu.memory_space<semaphore_mem>>)
    %multiple_of3A_199 = arith.constant 16 : i32
    %multiple_of3A_200 = tpu.assume_multiple %multiple_of3A_199, 8 : i32
    %dma_start3A_201 = tpu.memref_slice %arg7[%multiple_of3A_200] : memref<2464xi32, #tpu.memory_space<vmem>> -> memref<16xi32, #tpu.memory_space<vmem>>
    %dma_start3A_202 = arith.constant 0 : i32
    %dma_start3A_203 = arith.constant 0 : i32
    %dma_start3A_204 = tpu.memref_slice %arg4[%dma_start3A_202, %dma_start3A_203] : memref<49408x768xf32, #tpu.memory_space<hbm>> -> memref<49408x768xf32, #tpu.memory_space<hbm>>
    tpu.enqueue_indirect_dma source(%dma_start3A_204 : memref<49408x768xf32, #tpu.memory_space<hbm>>) target(%arg11 : memref<16x768xf32, #tpu.memory_space<vmem>>) offsets(%dma_start3A_201 : memref<16xi32, #tpu.memory_space<vmem>>) semaphore(%arg13 : memref<!tpu.dma_semaphore, #tpu.memory_space<semaphore_mem>>)
    %scan3A = arith.constant 0 : i32
    %scan3A_205 = arith.constant 0 : i32
    %scan3A_206 = arith.constant 77 : i32
    %scan3A_207 = arith.addi %scan3A_205, %scan3A_206 : i32
    %scan3A_208 = arith.constant 1 : i32
    scf.for %scan3A_221 = %scan3A_205 to %scan3A_207 step %scan3A_208  : i32 {
      %mul3A_222 = arith.constant 2 : i32
      %mul3A_223 = arith.muli %mul3A_222, %scan3A_221 : i32
      %add3A_224 = arith.constant 0 : i32
      %add3A_225 = arith.addi %mul3A_223, %add3A_224 : i32
      %dma_wait3A_226 = arith.constant 0 : i32
      %dma_wait3A_227 = tpu.memref_slice %arg7[%dma_wait3A_226] : memref<2464xi32, #tpu.memory_space<vmem>> -> memref<16xi32, #tpu.memory_space<vmem>>
      %dma_wait3A_228 = arith.constant 0 : i32
      %dma_wait3A_229 = arith.constant 0 : i32
      %dma_wait3A_230 = tpu.memref_slice %arg4[%dma_wait3A_228, %dma_wait3A_229] : memref<49408x768xf32, #tpu.memory_space<hbm>> -> memref<49408x768xf32, #tpu.memory_space<hbm>>
      tpu.wait_indirect_dma semaphore(%arg12 : memref<!tpu.dma_semaphore, #tpu.memory_space<semaphore_mem>>) src(%dma_wait3A_230 : memref<49408x768xf32, #tpu.memory_space<hbm>>) dst(%arg10 : memref<16x768xf32, #tpu.memory_space<vmem>>)
      %mul3A_231 = arith.constant 16 : i32
      %mul3A_232 = arith.muli %add3A_225, %mul3A_231 : i32
      %multiple_of3A_233 = tpu.assume_multiple %mul3A_232, 8 : i32
      %get3A = arith.index_cast %multiple_of3A_233 : i32 to index
      %get3A_234 = tpu.vector_load %arg8[%get3A] {strides = array<i32>} : memref<2480xi32, #tpu.memory_space<vmem>>, vector<16xi32>,
      %scan3A_235 = arith.constant 0 : i32
      %scan3A_236 = arith.constant 0 : i32
      %scan3A_237 = arith.constant 16 : i32
      %scan3A_238 = arith.addi %scan3A_236, %scan3A_237 : i32
      %scan3A_239 = arith.constant 1 : i32
      scf.for %scan3A_284 = %scan3A_236 to %scan3A_238 step %scan3A_239  : i32 {
        %broadcast_in_dim3A = vector.broadcast %scan3A_284 : i32 to vector<16xi32>
        %lt3A_285 = arith.constant 0 : i32
        %lt3A_286 = vector.broadcast %lt3A_285 : i32 to vector<16xi32>
        %lt3A_287 = arith.cmpi slt, %broadcast_in_dim3A, %lt3A_286 : vector<16xi32>
        %add3A_288 = arith.constant 16 : i32
        %add3A_289 = vector.broadcast %add3A_288 : i32 to vector<16xi32>
        %add3A_290 = arith.addi %broadcast_in_dim3A, %add3A_289 : vector<16xi32>
        %select_n3A = arith.select %lt3A_287, %add3A_290, %broadcast_in_dim3A : vector<16xi1>, vector<16xi32>
        %broadcast_in_dim3A_291 = vector.shape_cast %select_n3A : vector<16xi32> to vector<16x1xi32>
        %gather3A = vector.shape_cast %broadcast_in_dim3A_291 : vector<16x1xi32> to vector<16xi32>
        %gather3A_292 = tpu.dynamic_gather %get3A_234[%gather3A] in [0] : vector<16xi32>, vector<16xi32> -> vector<16xi32>
        %add3A_293 = arith.addi %gather3A_292, %add3A_5 : vector<16xi32>
        %gather3A_294 = tpu.vector_load_idx %arg9[%add3A_293] : memref<59136xf32, #tpu.memory_space<vmem>>[vector<16xi32>], vector<16xf32>,
        %add3A_295 = arith.addi %gather3A_292, %add3A_9 : vector<16xi32>
        %gather3A_296 = tpu.vector_load_idx %arg9[%add3A_295] : memref<59136xf32, #tpu.memory_space<vmem>>[vector<16xi32>], vector<16xf32>,
        %add3A_297 = arith.addi %gather3A_292, %add3A_13 : vector<16xi32>
        %gather3A_298 = tpu.vector_load_idx %arg9[%add3A_297] : memref<59136xf32, #tpu.memory_space<vmem>>[vector<16xi32>], vector<16xf32>,
        %add3A_299 = arith.addi %gather3A_292, %add3A_17 : vector<16xi32>
        %gather3A_300 = tpu.vector_load_idx %arg9[%add3A_299] : memref<59136xf32, #tpu.memory_space<vmem>>[vector<16xi32>], vector<16xf32>,
        %add3A_301 = arith.addi %gather3A_292, %add3A_21 : vector<16xi32>
        %gather3A_302 = tpu.vector_load_idx %arg9[%add3A_301] : memref<59136xf32, #tpu.memory_space<vmem>>[vector<16xi32>], vector<16xf32>,
        %add3A_303 = arith.addi %gather3A_292, %add3A_25 : vector<16xi32>
        %gather3A_304 = tpu.vector_load_idx %arg9[%add3A_303] : memref<59136xf32, #tpu.memory_space<vmem>>[vector<16xi32>], vector<16xf32>,
        %add3A_305 = arith.addi %gather3A_292, %add3A_29 : vector<16xi32>
        %gather3A_306 = tpu.vector_load_idx %arg9[%add3A_305] : memref<59136xf32, #tpu.memory_space<vmem>>[vector<16xi32>], vector<16xf32>,
        %add3A_307 = arith.addi %gather3A_292, %add3A_33 : vector<16xi32>
        %gather3A_308 = tpu.vector_load_idx %arg9[%add3A_307] : memref<59136xf32, #tpu.memory_space<vmem>>[vector<16xi32>], vector<16xf32>,
        %swap3A = arith.index_cast %scan3A_284 : i32 to index
        %swap3A_309 = arith.constant 0 : index
        %swap3A_310 = tpu.vector_load %arg10[%swap3A, %swap3A_309] {strides = array<i32>} : memref<16x768xf32, #tpu.memory_space<vmem>>, vector<16xf32>,
        tpu.vector_store %arg10[%swap3A, %swap3A_309], %gather3A_294 {add = true, strides = array<i32>} : memref<16x768xf32, #tpu.memory_space<vmem>>, vector<16xf32>,
        %swap3A_311 = arith.index_cast %scan3A_284 : i32 to index
        %swap3A_312 = arith.constant 16 : index
        %swap3A_313 = tpu.vector_load %arg10[%swap3A_311, %swap3A_312] {strides = array<i32>} : memref<16x768xf32, #tpu.memory_space<vmem>>, vector<16xf32>,
        tpu.vector_store %arg10[%swap3A_311, %swap3A_312], %gather3A_296 {add = true, strides = array<i32>} : memref<16x768xf32, #tpu.memory_space<vmem>>, vector<16xf32>,
        %swap3A_314 = arith.index_cast %scan3A_284 : i32 to index
        %swap3A_315 = arith.constant 32 : index
        %swap3A_316 = tpu.vector_load %arg10[%swap3A_314, %swap3A_315] {strides = array<i32>} : memref<16x768xf32, #tpu.memory_space<vmem>>, vector<16xf32>,
        tpu.vector_store %arg10[%swap3A_314, %swap3A_315], %gather3A_298 {add = true, strides = array<i32>} : memref<16x768xf32, #tpu.memory_space<vmem>>, vector<16xf32>,
        %swap3A_317 = arith.index_cast %scan3A_284 : i32 to index
        %swap3A_318 = arith.constant 48 : index
        %swap3A_319 = tpu.vector_load %arg10[%swap3A_317, %swap3A_318] {strides = array<i32>} : memref<16x768xf32, #tpu.memory_space<vmem>>, vector<16xf32>,
        tpu.vector_store %arg10[%swap3A_317, %swap3A_318], %gather3A_300 {add = true, strides = array<i32>} : memref<16x768xf32, #tpu.memory_space<vmem>>, vector<16xf32>,
        %swap3A_320 = arith.index_cast %scan3A_284 : i32 to index
        %swap3A_321 = arith.constant 64 : index
        %swap3A_322 = tpu.vector_load %arg10[%swap3A_320, %swap3A_321] {strides = array<i32>} : memref<16x768xf32, #tpu.memory_space<vmem>>, vector<16xf32>,
        tpu.vector_store %arg10[%swap3A_320, %swap3A_321], %gather3A_302 {add = true, strides = array<i32>} : memref<16x768xf32, #tpu.memory_space<vmem>>, vector<16xf32>,
        %swap3A_323 = arith.index_cast %scan3A_284 : i32 to index
        %swap3A_324 = arith.constant 80 : index
        %swap3A_325 = tpu.vector_load %arg10[%swap3A_323, %swap3A_324] {strides = array<i32>} : memref<16x768xf32, #tpu.memory_space<vmem>>, vector<16xf32>,
        tpu.vector_store %arg10[%swap3A_323, %swap3A_324], %gather3A_304 {add = true, strides = array<i32>} : memref<16x768xf32, #tpu.memory_space<vmem>>, vector<16xf32>,
        %swap3A_326 = arith.index_cast %scan3A_284 : i32 to index
        %swap3A_327 = arith.constant 96 : index
        %swap3A_328 = tpu.vector_load %arg10[%swap3A_326, %swap3A_327] {strides = array<i32>} : memref<16x768xf32, #tpu.memory_space<vmem>>, vector<16xf32>,
        tpu.vector_store %arg10[%swap3A_326, %swap3A_327], %gather3A_306 {add = true, strides = array<i32>} : memref<16x768xf32, #tpu.memory_space<vmem>>, vector<16xf32>,
        %swap3A_329 = arith.index_cast %scan3A_284 : i32 to index
        %swap3A_330 = arith.constant 112 : index
        %swap3A_331 = tpu.vector_load %arg10[%swap3A_329, %swap3A_330] {strides = array<i32>} : memref<16x768xf32, #tpu.memory_space<vmem>>, vector<16xf32>,
        tpu.vector_store %arg10[%swap3A_329, %swap3A_330], %gather3A_308 {add = true, strides = array<i32>} : memref<16x768xf32, #tpu.memory_space<vmem>>, vector<16xf32>,
        %add3A_332 = arith.addi %gather3A_292, %add3A_37 : vector<16xi32>
        %gather3A_333 = tpu.vector_load_idx %arg9[%add3A_332] : memref<59136xf32, #tpu.memory_space<vmem>>[vector<16xi32>], vector<16xf32>,
        %add3A_334 = arith.addi %gather3A_292, %add3A_41 : vector<16xi32>
        %gather3A_335 = tpu.vector_load_idx %arg9[%add3A_334] : memref<59136xf32, #tpu.memory_space<vmem>>[vector<16xi32>], vector<16xf32>,
        %add3A_336 = arith.addi %gather3A_292, %add3A_45 : vector<16xi32>
        %gather3A_337 = tpu.vector_load_idx %arg9[%add3A_336] : memref<59136xf32, #tpu.memory_space<vmem>>[vector<16xi32>], vector<16xf32>,
        %add3A_338 = arith.addi %gather3A_292, %add3A_49 : vector<16xi32>
        %gather3A_339 = tpu.vector_load_idx %arg9[%add3A_338] : memref<59136xf32, #tpu.memory_space<vmem>>[vector<16xi32>], vector<16xf32>,
        %add3A_340 = arith.addi %gather3A_292, %add3A_53 : vector<16xi32>
        %gather3A_341 = tpu.vector_load_idx %arg9[%add3A_340] : memref<59136xf32, #tpu.memory_space<vmem>>[vector<16xi32>], vector<16xf32>,
        %add3A_342 = arith.addi %gather3A_292, %add3A_57 : vector<16xi32>
        %gather3A_343 = tpu.vector_load_idx %arg9[%add3A_342] : memref<59136xf32, #tpu.memory_space<vmem>>[vector<16xi32>], vector<16xf32>,
        %add3A_344 = arith.addi %gather3A_292, %add3A_61 : vector<16xi32>
        %gather3A_345 = tpu.vector_load_idx %arg9[%add3A_344] : memref<59136xf32, #tpu.memory_space<vmem>>[vector<16xi32>], vector<16xf32>,
        %add3A_346 = arith.addi %gather3A_292, %add3A_65 : vector<16xi32>
        %gather3A_347 = tpu.vector_load_idx %arg9[%add3A_346] : memref<59136xf32, #tpu.memory_space<vmem>>[vector<16xi32>], vector<16xf32>,
        %swap3A_348 = arith.index_cast %scan3A_284 : i32 to index
        %swap3A_349 = arith.constant 128 : index
        %swap3A_350 = tpu.vector_load %arg10[%swap3A_348, %swap3A_349] {strides = array<i32>} : memref<16x768xf32, #tpu.memory_space<vmem>>, vector<16xf32>,
        tpu.vector_store %arg10[%swap3A_348, %swap3A_349], %gather3A_333 {add = true, strides = array<i32>} : memref<16x768xf32, #tpu.memory_space<vmem>>, vector<16xf32>,
        %swap3A_351 = arith.index_cast %scan3A_284 : i32 to index
        %swap3A_352 = arith.constant 144 : index
        %swap3A_353 = tpu.vector_load %arg10[%swap3A_351, %swap3A_352] {strides = array<i32>} : memref<16x768xf32, #tpu.memory_space<vmem>>, vector<16xf32>,
        tpu.vector_store %arg10[%swap3A_351, %swap3A_352], %gather3A_335 {add = true, strides = array<i32>} : memref<16x768xf32, #tpu.memory_space<vmem>>, vector<16xf32>,
        %swap3A_354 = arith.index_cast %scan3A_284 : i32 to index
        %swap3A_355 = arith.constant 160 : index
        %swap3A_356 = tpu.vector_load %arg10[%swap3A_354, %swap3A_355] {strides = array<i32>} : memref<16x768xf32, #tpu.memory_space<vmem>>, vector<16xf32>,
        tpu.vector_store %arg10[%swap3A_354, %swap3A_355], %gather3A_337 {add = true, strides = array<i32>} : memref<16x768xf32, #tpu.memory_space<vmem>>, vector<16xf32>,
        %swap3A_357 = arith.index_cast %scan3A_284 : i32 to index
        %swap3A_358 = arith.constant 176 : index
        %swap3A_359 = tpu.vector_load %arg10[%swap3A_357, %swap3A_358] {strides = array<i32>} : memref<16x768xf32, #tpu.memory_space<vmem>>, vector<16xf32>,
        tpu.vector_store %arg10[%swap3A_357, %swap3A_358], %gather3A_339 {add = true, strides = array<i32>} : memref<16x768xf32, #tpu.memory_space<vmem>>, vector<16xf32>,
        %swap3A_360 = arith.index_cast %scan3A_284 : i32 to index
        %swap3A_361 = arith.constant 192 : index
        %swap3A_362 = tpu.vector_load %arg10[%swap3A_360, %swap3A_361] {strides = array<i32>} : memref<16x768xf32, #tpu.memory_space<vmem>>, vector<16xf32>,
        tpu.vector_store %arg10[%swap3A_360, %swap3A_361], %gather3A_341 {add = true, strides = array<i32>} : memref<16x768xf32, #tpu.memory_space<vmem>>, vector<16xf32>,
        %swap3A_363 = arith.index_cast %scan3A_284 : i32 to index
        %swap3A_364 = arith.constant 208 : index
        %swap3A_365 = tpu.vector_load %arg10[%swap3A_363, %swap3A_364] {strides = array<i32>} : memref<16x768xf32, #tpu.memory_space<vmem>>, vector<16xf32>,
        tpu.vector_store %arg10[%swap3A_363, %swap3A_364], %gather3A_343 {add = true, strides = array<i32>} : memref<16x768xf32, #tpu.memory_space<vmem>>, vector<16xf32>,
        %swap3A_366 = arith.index_cast %scan3A_284 : i32 to index
        %swap3A_367 = arith.constant 224 : index
        %swap3A_368 = tpu.vector_load %arg10[%swap3A_366, %swap3A_367] {strides = array<i32>} : memref<16x768xf32, #tpu.memory_space<vmem>>, vector<16xf32>,
        tpu.vector_store %arg10[%swap3A_366, %swap3A_367], %gather3A_345 {add = true, strides = array<i32>} : memref<16x768xf32, #tpu.memory_space<vmem>>, vector<16xf32>,
        %swap3A_369 = arith.index_cast %scan3A_284 : i32 to index
        %swap3A_370 = arith.constant 240 : index
        %swap3A_371 = tpu.vector_load %arg10[%swap3A_369, %swap3A_370] {strides = array<i32>} : memref<16x768xf32, #tpu.memory_space<vmem>>, vector<16xf32>,
        tpu.vector_store %arg10[%swap3A_369, %swap3A_370], %gather3A_347 {add = true, strides = array<i32>} : memref<16x768xf32, #tpu.memory_space<vmem>>, vector<16xf32>,
        %add3A_372 = arith.addi %gather3A_292, %add3A_69 : vector<16xi32>
        %gather3A_373 = tpu.vector_load_idx %arg9[%add3A_372] : memref<59136xf32, #tpu.memory_space<vmem>>[vector<16xi32>], vector<16xf32>,
        %add3A_374 = arith.addi %gather3A_292, %add3A_73 : vector<16xi32>
        %gather3A_375 = tpu.vector_load_idx %arg9[%add3A_374] : memref<59136xf32, #tpu.memory_space<vmem>>[vector<16xi32>], vector<16xf32>,
        %add3A_376 = arith.addi %gather3A_292, %add3A_77 : vector<16xi32>
        %gather3A_377 = tpu.vector_load_idx %arg9[%add3A_376] : memref<59136xf32, #tpu.memory_space<vmem>>[vector<16xi32>], vector<16xf32>,
        %add3A_378 = arith.addi %gather3A_292, %add3A_81 : vector<16xi32>
        %gather3A_379 = tpu.vector_load_idx %arg9[%add3A_378] : memref<59136xf32, #tpu.memory_space<vmem>>[vector<16xi32>], vector<16xf32>,
        %add3A_380 = arith.addi %gather3A_292, %add3A_85 : vector<16xi32>
        %gather3A_381 = tpu.vector_load_idx %arg9[%add3A_380] : memref<59136xf32, #tpu.memory_space<vmem>>[vector<16xi32>], vector<16xf32>,
        %add3A_382 = arith.addi %gather3A_292, %add3A_89 : vector<16xi32>
        %gather3A_383 = tpu.vector_load_idx %arg9[%add3A_382] : memref<59136xf32, #tpu.memory_space<vmem>>[vector<16xi32>], vector<16xf32>,
        %add3A_384 = arith.addi %gather3A_292, %add3A_93 : vector<16xi32>
        %gather3A_385 = tpu.vector_load_idx %arg9[%add3A_384] : memref<59136xf32, #tpu.memory_space<vmem>>[vector<16xi32>], vector<16xf32>,
        %add3A_386 = arith.addi %gather3A_292, %add3A_97 : vector<16xi32>
        %gather3A_387 = tpu.vector_load_idx %arg9[%add3A_386] : memref<59136xf32, #tpu.memory_space<vmem>>[vector<16xi32>], vector<16xf32>,
        %swap3A_388 = arith.index_cast %scan3A_284 : i32 to index
        %swap3A_389 = arith.constant 256 : index
        %swap3A_390 = tpu.vector_load %arg10[%swap3A_388, %swap3A_389] {strides = array<i32>} : memref<16x768xf32, #tpu.memory_space<vmem>>, vector<16xf32>,
        tpu.vector_store %arg10[%swap3A_388, %swap3A_389], %gather3A_373 {add = true, strides = array<i32>} : memref<16x768xf32, #tpu.memory_space<vmem>>, vector<16xf32>,
        %swap3A_391 = arith.index_cast %scan3A_284 : i32 to index
        %swap3A_392 = arith.constant 272 : index
        %swap3A_393 = tpu.vector_load %arg10[%swap3A_391, %swap3A_392] {strides = array<i32>} : memref<16x768xf32, #tpu.memory_space<vmem>>, vector<16xf32>,
        tpu.vector_store %arg10[%swap3A_391, %swap3A_392], %gather3A_375 {add = true, strides = array<i32>} : memref<16x768xf32, #tpu.memory_space<vmem>>, vector<16xf32>,
        %swap3A_394 = arith.index_cast %scan3A_284 : i32 to index
        %swap3A_395 = arith.constant 288 : index
        %swap3A_396 = tpu.vector_load %arg10[%swap3A_394, %swap3A_395] {strides = array<i32>} : memref<16x768xf32, #tpu.memory_space<vmem>>, vector<16xf32>,
        tpu.vector_store %arg10[%swap3A_394, %swap3A_395], %gather3A_377 {add = true, strides = array<i32>} : memref<16x768xf32, #tpu.memory_space<vmem>>, vector<16xf32>,
        %swap3A_397 = arith.index_cast %scan3A_284 : i32 to index
        %swap3A_398 = arith.constant 304 : index
        %swap3A_399 = tpu.vector_load %arg10[%swap3A_397, %swap3A_398] {strides = array<i32>} : memref<16x768xf32, #tpu.memory_space<vmem>>, vector<16xf32>,
        tpu.vector_store %arg10[%swap3A_397, %swap3A_398], %gather3A_379 {add = true, strides = array<i32>} : memref<16x768xf32, #tpu.memory_space<vmem>>, vector<16xf32>,
        %swap3A_400 = arith.index_cast %scan3A_284 : i32 to index
        %swap3A_401 = arith.constant 320 : index
        %swap3A_402 = tpu.vector_load %arg10[%swap3A_400, %swap3A_401] {strides = array<i32>} : memref<16x768xf32, #tpu.memory_space<vmem>>, vector<16xf32>,
        tpu.vector_store %arg10[%swap3A_400, %swap3A_401], %gather3A_381 {add = true, strides = array<i32>} : memref<16x768xf32, #tpu.memory_space<vmem>>, vector<16xf32>,
        %swap3A_403 = arith.index_cast %scan3A_284 : i32 to index
        %swap3A_404 = arith.constant 336 : index
        %swap3A_405 = tpu.vector_load %arg10[%swap3A_403, %swap3A_404] {strides = array<i32>} : memref<16x768xf32, #tpu.memory_space<vmem>>, vector<16xf32>,
        tpu.vector_store %arg10[%swap3A_403, %swap3A_404], %gather3A_383 {add = true, strides = array<i32>} : memref<16x768xf32, #tpu.memory_space<vmem>>, vector<16xf32>,
        %swap3A_406 = arith.index_cast %scan3A_284 : i32 to index
        %swap3A_407 = arith.constant 352 : index
        %swap3A_408 = tpu.vector_load %arg10[%swap3A_406, %swap3A_407] {strides = array<i32>} : memref<16x768xf32, #tpu.memory_space<vmem>>, vector<16xf32>,
        tpu.vector_store %arg10[%swap3A_406, %swap3A_407], %gather3A_385 {add = true, strides = array<i32>} : memref<16x768xf32, #tpu.memory_space<vmem>>, vector<16xf32>,
        %swap3A_409 = arith.index_cast %scan3A_284 : i32 to index
        %swap3A_410 = arith.constant 368 : index
        %swap3A_411 = tpu.vector_load %arg10[%swap3A_409, %swap3A_410] {strides = array<i32>} : memref<16x768xf32, #tpu.memory_space<vmem>>, vector<16xf32>,
        tpu.vector_store %arg10[%swap3A_409, %swap3A_410], %gather3A_387 {add = true, strides = array<i32>} : memref<16x768xf32, #tpu.memory_space<vmem>>, vector<16xf32>,
        %add3A_412 = arith.addi %gather3A_292, %add3A_101 : vector<16xi32>
        %gather3A_413 = tpu.vector_load_idx %arg9[%add3A_412] : memref<59136xf32, #tpu.memory_space<vmem>>[vector<16xi32>], vector<16xf32>,
        %add3A_414 = arith.addi %gather3A_292, %add3A_105 : vector<16xi32>
        %gather3A_415 = tpu.vector_load_idx %arg9[%add3A_414] : memref<59136xf32, #tpu.memory_space<vmem>>[vector<16xi32>], vector<16xf32>,
        %add3A_416 = arith.addi %gather3A_292, %add3A_109 : vector<16xi32>
        %gather3A_417 = tpu.vector_load_idx %arg9[%add3A_416] : memref<59136xf32, #tpu.memory_space<vmem>>[vector<16xi32>], vector<16xf32>,
        %add3A_418 = arith.addi %gather3A_292, %add3A_113 : vector<16xi32>
        %gather3A_419 = tpu.vector_load_idx %arg9[%add3A_418] : memref<59136xf32, #tpu.memory_space<vmem>>[vector<16xi32>], vector<16xf32>,
        %add3A_420 = arith.addi %gather3A_292, %add3A_117 : vector<16xi32>
        %gather3A_421 = tpu.vector_load_idx %arg9[%add3A_420] : memref<59136xf32, #tpu.memory_space<vmem>>[vector<16xi32>], vector<16xf32>,
        %add3A_422 = arith.addi %gather3A_292, %add3A_121 : vector<16xi32>
        %gather3A_423 = tpu.vector_load_idx %arg9[%add3A_422] : memref<59136xf32, #tpu.memory_space<vmem>>[vector<16xi32>], vector<16xf32>,
        %add3A_424 = arith.addi %gather3A_292, %add3A_125 : vector<16xi32>
        %gather3A_425 = tpu.vector_load_idx %arg9[%add3A_424] : memref<59136xf32, #tpu.memory_space<vmem>>[vector<16xi32>], vector<16xf32>,
        %add3A_426 = arith.addi %gather3A_292, %add3A_129 : vector<16xi32>
        %gather3A_427 = tpu.vector_load_idx %arg9[%add3A_426] : memref<59136xf32, #tpu.memory_space<vmem>>[vector<16xi32>], vector<16xf32>,
        %swap3A_428 = arith.index_cast %scan3A_284 : i32 to index
        %swap3A_429 = arith.constant 384 : index
        %swap3A_430 = tpu.vector_load %arg10[%swap3A_428, %swap3A_429] {strides = array<i32>} : memref<16x768xf32, #tpu.memory_space<vmem>>, vector<16xf32>,
        tpu.vector_store %arg10[%swap3A_428, %swap3A_429], %gather3A_413 {add = true, strides = array<i32>} : memref<16x768xf32, #tpu.memory_space<vmem>>, vector<16xf32>,
        %swap3A_431 = arith.index_cast %scan3A_284 : i32 to index
        %swap3A_432 = arith.constant 400 : index
        %swap3A_433 = tpu.vector_load %arg10[%swap3A_431, %swap3A_432] {strides = array<i32>} : memref<16x768xf32, #tpu.memory_space<vmem>>, vector<16xf32>,
        tpu.vector_store %arg10[%swap3A_431, %swap3A_432], %gather3A_415 {add = true, strides = array<i32>} : memref<16x768xf32, #tpu.memory_space<vmem>>, vector<16xf32>,
        %swap3A_434 = arith.index_cast %scan3A_284 : i32 to index
        %swap3A_435 = arith.constant 416 : index
        %swap3A_436 = tpu.vector_load %arg10[%swap3A_434, %swap3A_435] {strides = array<i32>} : memref<16x768xf32, #tpu.memory_space<vmem>>, vector<16xf32>,
        tpu.vector_store %arg10[%swap3A_434, %swap3A_435], %gather3A_417 {add = true, strides = array<i32>} : memref<16x768xf32, #tpu.memory_space<vmem>>, vector<16xf32>,
        %swap3A_437 = arith.index_cast %scan3A_284 : i32 to index
        %swap3A_438 = arith.constant 432 : index
        %swap3A_439 = tpu.vector_load %arg10[%swap3A_437, %swap3A_438] {strides = array<i32>} : memref<16x768xf32, #tpu.memory_space<vmem>>, vector<16xf32>,
        tpu.vector_store %arg10[%swap3A_437, %swap3A_438], %gather3A_419 {add = true, strides = array<i32>} : memref<16x768xf32, #tpu.memory_space<vmem>>, vector<16xf32>,
        %swap3A_440 = arith.index_cast %scan3A_284 : i32 to index
        %swap3A_441 = arith.constant 448 : index
        %swap3A_442 = tpu.vector_load %arg10[%swap3A_440, %swap3A_441] {strides = array<i32>} : memref<16x768xf32, #tpu.memory_space<vmem>>, vector<16xf32>,
        tpu.vector_store %arg10[%swap3A_440, %swap3A_441], %gather3A_421 {add = true, strides = array<i32>} : memref<16x768xf32, #tpu.memory_space<vmem>>, vector<16xf32>,
        %swap3A_443 = arith.index_cast %scan3A_284 : i32 to index
        %swap3A_444 = arith.constant 464 : index
        %swap3A_445 = tpu.vector_load %arg10[%swap3A_443, %swap3A_444] {strides = array<i32>} : memref<16x768xf32, #tpu.memory_space<vmem>>, vector<16xf32>,
        tpu.vector_store %arg10[%swap3A_443, %swap3A_444], %gather3A_423 {add = true, strides = array<i32>} : memref<16x768xf32, #tpu.memory_space<vmem>>, vector<16xf32>,
        %swap3A_446 = arith.index_cast %scan3A_284 : i32 to index
        %swap3A_447 = arith.constant 480 : index
        %swap3A_448 = tpu.vector_load %arg10[%swap3A_446, %swap3A_447] {strides = array<i32>} : memref<16x768xf32, #tpu.memory_space<vmem>>, vector<16xf32>,
        tpu.vector_store %arg10[%swap3A_446, %swap3A_447], %gather3A_425 {add = true, strides = array<i32>} : memref<16x768xf32, #tpu.memory_space<vmem>>, vector<16xf32>,
        %swap3A_449 = arith.index_cast %scan3A_284 : i32 to index
        %swap3A_450 = arith.constant 496 : index
        %swap3A_451 = tpu.vector_load %arg10[%swap3A_449, %swap3A_450] {strides = array<i32>} : memref<16x768xf32, #tpu.memory_space<vmem>>, vector<16xf32>,
        tpu.vector_store %arg10[%swap3A_449, %swap3A_450], %gather3A_427 {add = true, strides = array<i32>} : memref<16x768xf32, #tpu.memory_space<vmem>>, vector<16xf32>,
        %add3A_452 = arith.addi %gather3A_292, %add3A_133 : vector<16xi32>
        %gather3A_453 = tpu.vector_load_idx %arg9[%add3A_452] : memref<59136xf32, #tpu.memory_space<vmem>>[vector<16xi32>], vector<16xf32>,
        %add3A_454 = arith.addi %gather3A_292, %add3A_137 : vector<16xi32>
        %gather3A_455 = tpu.vector_load_idx %arg9[%add3A_454] : memref<59136xf32, #tpu.memory_space<vmem>>[vector<16xi32>], vector<16xf32>,
        %add3A_456 = arith.addi %gather3A_292, %add3A_141 : vector<16xi32>
        %gather3A_457 = tpu.vector_load_idx %arg9[%add3A_456] : memref<59136xf32, #tpu.memory_space<vmem>>[vector<16xi32>], vector<16xf32>,
        %add3A_458 = arith.addi %gather3A_292, %add3A_145 : vector<16xi32>
        %gather3A_459 = tpu.vector_load_idx %arg9[%add3A_458] : memref<59136xf32, #tpu.memory_space<vmem>>[vector<16xi32>], vector<16xf32>,
        %add3A_460 = arith.addi %gather3A_292, %add3A_149 : vector<16xi32>
        %gather3A_461 = tpu.vector_load_idx %arg9[%add3A_460] : memref<59136xf32, #tpu.memory_space<vmem>>[vector<16xi32>], vector<16xf32>,
        %add3A_462 = arith.addi %gather3A_292, %add3A_153 : vector<16xi32>
        %gather3A_463 = tpu.vector_load_idx %arg9[%add3A_462] : memref<59136xf32, #tpu.memory_space<vmem>>[vector<16xi32>], vector<16xf32>,
        %add3A_464 = arith.addi %gather3A_292, %add3A_157 : vector<16xi32>
        %gather3A_465 = tpu.vector_load_idx %arg9[%add3A_464] : memref<59136xf32, #tpu.memory_space<vmem>>[vector<16xi32>], vector<16xf32>,
        %add3A_466 = arith.addi %gather3A_292, %add3A_161 : vector<16xi32>
        %gather3A_467 = tpu.vector_load_idx %arg9[%add3A_466] : memref<59136xf32, #tpu.memory_space<vmem>>[vector<16xi32>], vector<16xf32>,
        %swap3A_468 = arith.index_cast %scan3A_284 : i32 to index
        %swap3A_469 = arith.constant 512 : index
        %swap3A_470 = tpu.vector_load %arg10[%swap3A_468, %swap3A_469] {strides = array<i32>} : memref<16x768xf32, #tpu.memory_space<vmem>>, vector<16xf32>,
        tpu.vector_store %arg10[%swap3A_468, %swap3A_469], %gather3A_453 {add = true, strides = array<i32>} : memref<16x768xf32, #tpu.memory_space<vmem>>, vector<16xf32>,
        %swap3A_471 = arith.index_cast %scan3A_284 : i32 to index
        %swap3A_472 = arith.constant 528 : index
        %swap3A_473 = tpu.vector_load %arg10[%swap3A_471, %swap3A_472] {strides = array<i32>} : memref<16x768xf32, #tpu.memory_space<vmem>>, vector<16xf32>,
        tpu.vector_store %arg10[%swap3A_471, %swap3A_472], %gather3A_455 {add = true, strides = array<i32>} : memref<16x768xf32, #tpu.memory_space<vmem>>, vector<16xf32>,
        %swap3A_474 = arith.index_cast %scan3A_284 : i32 to index
        %swap3A_475 = arith.constant 544 : index
        %swap3A_476 = tpu.vector_load %arg10[%swap3A_474, %swap3A_475] {strides = array<i32>} : memref<16x768xf32, #tpu.memory_space<vmem>>, vector<16xf32>,
        tpu.vector_store %arg10[%swap3A_474, %swap3A_475], %gather3A_457 {add = true, strides = array<i32>} : memref<16x768xf32, #tpu.memory_space<vmem>>, vector<16xf32>,
        %swap3A_477 = arith.index_cast %scan3A_284 : i32 to index
        %swap3A_478 = arith.constant 560 : index
        %swap3A_479 = tpu.vector_load %arg10[%swap3A_477, %swap3A_478] {strides = array<i32>} : memref<16x768xf32, #tpu.memory_space<vmem>>, vector<16xf32>,
        tpu.vector_store %arg10[%swap3A_477, %swap3A_478], %gather3A_459 {add = true, strides = array<i32>} : memref<16x768xf32, #tpu.memory_space<vmem>>, vector<16xf32>,
        %swap3A_480 = arith.index_cast %scan3A_284 : i32 to index
        %swap3A_481 = arith.constant 576 : index
        %swap3A_482 = tpu.vector_load %arg10[%swap3A_480, %swap3A_481] {strides = array<i32>} : memref<16x768xf32, #tpu.memory_space<vmem>>, vector<16xf32>,
        tpu.vector_store %arg10[%swap3A_480, %swap3A_481], %gather3A_461 {add = true, strides = array<i32>} : memref<16x768xf32, #tpu.memory_space<vmem>>, vector<16xf32>,
        %swap3A_483 = arith.index_cast %scan3A_284 : i32 to index
        %swap3A_484 = arith.constant 592 : index
        %swap3A_485 = tpu.vector_load %arg10[%swap3A_483, %swap3A_484] {strides = array<i32>} : memref<16x768xf32, #tpu.memory_space<vmem>>, vector<16xf32>,
        tpu.vector_store %arg10[%swap3A_483, %swap3A_484], %gather3A_463 {add = true, strides = array<i32>} : memref<16x768xf32, #tpu.memory_space<vmem>>, vector<16xf32>,
        %swap3A_486 = arith.index_cast %scan3A_284 : i32 to index
        %swap3A_487 = arith.constant 608 : index
        %swap3A_488 = tpu.vector_load %arg10[%swap3A_486, %swap3A_487] {strides = array<i32>} : memref<16x768xf32, #tpu.memory_space<vmem>>, vector<16xf32>,
        tpu.vector_store %arg10[%swap3A_486, %swap3A_487], %gather3A_465 {add = true, strides = array<i32>} : memref<16x768xf32, #tpu.memory_space<vmem>>, vector<16xf32>,
        %swap3A_489 = arith.index_cast %scan3A_284 : i32 to index
        %swap3A_490 = arith.constant 624 : index
        %swap3A_491 = tpu.vector_load %arg10[%swap3A_489, %swap3A_490] {strides = array<i32>} : memref<16x768xf32, #tpu.memory_space<vmem>>, vector<16xf32>,
        tpu.vector_store %arg10[%swap3A_489, %swap3A_490], %gather3A_467 {add = true, strides = array<i32>} : memref<16x768xf32, #tpu.memory_space<vmem>>, vector<16xf32>,
        %add3A_492 = arith.addi %gather3A_292, %add3A_165 : vector<16xi32>
        %gather3A_493 = tpu.vector_load_idx %arg9[%add3A_492] : memref<59136xf32, #tpu.memory_space<vmem>>[vector<16xi32>], vector<16xf32>,
        %add3A_494 = arith.addi %gather3A_292, %add3A_169 : vector<16xi32>
        %gather3A_495 = tpu.vector_load_idx %arg9[%add3A_494] : memref<59136xf32, #tpu.memory_space<vmem>>[vector<16xi32>], vector<16xf32>,
        %add3A_496 = arith.addi %gather3A_292, %add3A_173 : vector<16xi32>
        %gather3A_497 = tpu.vector_load_idx %arg9[%add3A_496] : memref<59136xf32, #tpu.memory_space<vmem>>[vector<16xi32>], vector<16xf32>,
        %add3A_498 = arith.addi %gather3A_292, %add3A_177 : vector<16xi32>
        %gather3A_499 = tpu.vector_load_idx %arg9[%add3A_498] : memref<59136xf32, #tpu.memory_space<vmem>>[vector<16xi32>], vector<16xf32>,
        %add3A_500 = arith.addi %gather3A_292, %add3A_181 : vector<16xi32>
        %gather3A_501 = tpu.vector_load_idx %arg9[%add3A_500] : memref<59136xf32, #tpu.memory_space<vmem>>[vector<16xi32>], vector<16xf32>,
        %add3A_502 = arith.addi %gather3A_292, %add3A_185 : vector<16xi32>
        %gather3A_503 = tpu.vector_load_idx %arg9[%add3A_502] : memref<59136xf32, #tpu.memory_space<vmem>>[vector<16xi32>], vector<16xf32>,
        %add3A_504 = arith.addi %gather3A_292, %add3A_189 : vector<16xi32>
        %gather3A_505 = tpu.vector_load_idx %arg9[%add3A_504] : memref<59136xf32, #tpu.memory_space<vmem>>[vector<16xi32>], vector<16xf32>,
        %add3A_506 = arith.addi %gather3A_292, %add3A_193 : vector<16xi32>
        %gather3A_507 = tpu.vector_load_idx %arg9[%add3A_506] : memref<59136xf32, #tpu.memory_space<vmem>>[vector<16xi32>], vector<16xf32>,
        %swap3A_508 = arith.index_cast %scan3A_284 : i32 to index
        %swap3A_509 = arith.constant 640 : index
        %swap3A_510 = tpu.vector_load %arg10[%swap3A_508, %swap3A_509] {strides = array<i32>} : memref<16x768xf32, #tpu.memory_space<vmem>>, vector<16xf32>,
        tpu.vector_store %arg10[%swap3A_508, %swap3A_509], %gather3A_493 {add = true, strides = array<i32>} : memref<16x768xf32, #tpu.memory_space<vmem>>, vector<16xf32>,
        %swap3A_511 = arith.index_cast %scan3A_284 : i32 to index
        %swap3A_512 = arith.constant 656 : index
        %swap3A_513 = tpu.vector_load %arg10[%swap3A_511, %swap3A_512] {strides = array<i32>} : memref<16x768xf32, #tpu.memory_space<vmem>>, vector<16xf32>,
        tpu.vector_store %arg10[%swap3A_511, %swap3A_512], %gather3A_495 {add = true, strides = array<i32>} : memref<16x768xf32, #tpu.memory_space<vmem>>, vector<16xf32>,
        %swap3A_514 = arith.index_cast %scan3A_284 : i32 to index
        %swap3A_515 = arith.constant 672 : index
        %swap3A_516 = tpu.vector_load %arg10[%swap3A_514, %swap3A_515] {strides = array<i32>} : memref<16x768xf32, #tpu.memory_space<vmem>>, vector<16xf32>,
        tpu.vector_store %arg10[%swap3A_514, %swap3A_515], %gather3A_497 {add = true, strides = array<i32>} : memref<16x768xf32, #tpu.memory_space<vmem>>, vector<16xf32>,
        %swap3A_517 = arith.index_cast %scan3A_284 : i32 to index
        %swap3A_518 = arith.constant 688 : index
        %swap3A_519 = tpu.vector_load %arg10[%swap3A_517, %swap3A_518] {strides = array<i32>} : memref<16x768xf32, #tpu.memory_space<vmem>>, vector<16xf32>,
        tpu.vector_store %arg10[%swap3A_517, %swap3A_518], %gather3A_499 {add = true, strides = array<i32>} : memref<16x768xf32, #tpu.memory_space<vmem>>, vector<16xf32>,
        %swap3A_520 = arith.index_cast %scan3A_284 : i32 to index
        %swap3A_521 = arith.constant 704 : index
        %swap3A_522 = tpu.vector_load %arg10[%swap3A_520, %swap3A_521] {strides = array<i32>} : memref<16x768xf32, #tpu.memory_space<vmem>>, vector<16xf32>,
        tpu.vector_store %arg10[%swap3A_520, %swap3A_521], %gather3A_501 {add = true, strides = array<i32>} : memref<16x768xf32, #tpu.memory_space<vmem>>, vector<16xf32>,
        %swap3A_523 = arith.index_cast %scan3A_284 : i32 to index
        %swap3A_524 = arith.constant 720 : index
        %swap3A_525 = tpu.vector_load %arg10[%swap3A_523, %swap3A_524] {strides = array<i32>} : memref<16x768xf32, #tpu.memory_space<vmem>>, vector<16xf32>,
        tpu.vector_store %arg10[%swap3A_523, %swap3A_524], %gather3A_503 {add = true, strides = array<i32>} : memref<16x768xf32, #tpu.memory_space<vmem>>, vector<16xf32>,
        %swap3A_526 = arith.index_cast %scan3A_284 : i32 to index
        %swap3A_527 = arith.constant 736 : index
        %swap3A_528 = tpu.vector_load %arg10[%swap3A_526, %swap3A_527] {strides = array<i32>} : memref<16x768xf32, #tpu.memory_space<vmem>>, vector<16xf32>,
        tpu.vector_store %arg10[%swap3A_526, %swap3A_527], %gather3A_505 {add = true, strides = array<i32>} : memref<16x768xf32, #tpu.memory_space<vmem>>, vector<16xf32>,
        %swap3A_529 = arith.index_cast %scan3A_284 : i32 to index
        %swap3A_530 = arith.constant 752 : index
        %swap3A_531 = tpu.vector_load %arg10[%swap3A_529, %swap3A_530] {strides = array<i32>} : memref<16x768xf32, #tpu.memory_space<vmem>>, vector<16xf32>,
        tpu.vector_store %arg10[%swap3A_529, %swap3A_530], %gather3A_507 {add = true, strides = array<i32>} : memref<16x768xf32, #tpu.memory_space<vmem>>, vector<16xf32>,
      }
      %scan3A_240 = arith.constant 16 : i32
      %mul3A_241 = arith.constant 16 : i32
      %mul3A_242 = arith.muli %add3A_225, %mul3A_241 : i32
      %add3A_243 = arith.addi %multiple_of3A, %mul3A_242 : i32
      %multiple_of3A_244 = tpu.assume_multiple %add3A_243, 8 : i32
      %dma_start3A_245 = arith.constant 0 : i32
      %dma_start3A_246 = tpu.memref_slice %arg6[%multiple_of3A_244, %dma_start3A_245] : memref<78848x768xf32, #tpu.memory_space<hbm>> -> memref<16x768xf32, #tpu.memory_space<hbm>>
      %dma_start3A_247 = arith.constant 0 : i32
      %dma_start3A_248 = tpu.memref_slice %arg6[%multiple_of3A_244, %dma_start3A_247] : memref<78848x768xf32, #tpu.memory_space<hbm>> -> memref<16x768xf32, #tpu.memory_space<hbm>>
      tpu.enqueue_dma source(%arg10 : memref<16x768xf32, #tpu.memory_space<vmem>>) target(%dma_start3A_248 : memref<16x768xf32, #tpu.memory_space<hbm>>) target_semaphore(%arg14 : memref<!tpu.dma_semaphore, #tpu.memory_space<semaphore_mem>>)
      %lt3A = arith.constant 152 : i32
      %lt3A_249 = arith.cmpi slt, %add3A_225, %lt3A : i32
      %convert_element_type3A = arith.extui %lt3A_249 : i1 to i32
      %cond3A = arith.constant 0 : i32
      %cond3A_250 = arith.cmpi ne, %convert_element_type3A, %cond3A : i32
      scf.if %cond3A_250 {
        %dma_wait3A_284 = arith.constant 0 : i32
        %dma_wait3A_285 = arith.constant 0 : i32
        %dma_wait3A_286 = tpu.memref_slice %arg6[%dma_wait3A_284, %dma_wait3A_285] : memref<78848x768xf32, #tpu.memory_space<hbm>> -> memref<16x768xf32, #tpu.memory_space<hbm>>
        %dma_wait3A_287 = arith.constant 0 : i32
        %dma_wait3A_288 = arith.constant 0 : i32
        %dma_wait3A_289 = tpu.memref_slice %arg6[%dma_wait3A_287, %dma_wait3A_288] : memref<78848x768xf32, #tpu.memory_space<hbm>> -> memref<16x768xf32, #tpu.memory_space<hbm>>
        tpu.wait_dma2 semaphore(%arg14 : memref<!tpu.dma_semaphore, #tpu.memory_space<semaphore_mem>>) src(%arg10 : memref<16x768xf32, #tpu.memory_space<vmem>>) dst(%dma_wait3A_289 : memref<16x768xf32, #tpu.memory_space<hbm>>)
        %add3A_290 = arith.constant 2 : i32
        %add3A_291 = arith.addi %add3A_225, %add3A_290 : i32
        %mul3A_292 = arith.constant 16 : i32
        %mul3A_293 = arith.muli %add3A_291, %mul3A_292 : i32
        %multiple_of3A_294 = tpu.assume_multiple %mul3A_293, 8 : i32
        %dma_start3A_295 = tpu.memref_slice %arg7[%multiple_of3A_294] : memref<2464xi32, #tpu.memory_space<vmem>> -> memref<16xi32, #tpu.memory_space<vmem>>
        %dma_start3A_296 = arith.constant 0 : i32
        %dma_start3A_297 = arith.constant 0 : i32
        %dma_start3A_298 = tpu.memref_slice %arg4[%dma_start3A_296, %dma_start3A_297] : memref<49408x768xf32, #tpu.memory_space<hbm>> -> memref<49408x768xf32, #tpu.memory_space<hbm>>
        tpu.enqueue_indirect_dma source(%dma_start3A_298 : memref<49408x768xf32, #tpu.memory_space<hbm>>) target(%arg10 : memref<16x768xf32, #tpu.memory_space<vmem>>) offsets(%dma_start3A_295 : memref<16xi32, #tpu.memory_space<vmem>>) semaphore(%arg12 : memref<!tpu.dma_semaphore, #tpu.memory_space<semaphore_mem>>)
      } else {
      }
      %mul3A_251 = arith.constant 2 : i32
      %mul3A_252 = arith.muli %mul3A_251, %scan3A_221 : i32
      %add3A_253 = arith.constant 1 : i32
      %add3A_254 = arith.addi %mul3A_252, %add3A_253 : i32
      %dma_wait3A_255 = arith.constant 0 : i32
      %dma_wait3A_256 = tpu.memref_slice %arg7[%dma_wait3A_255] : memref<2464xi32, #tpu.memory_space<vmem>> -> memref<16xi32, #tpu.memory_space<vmem>>
      %dma_wait3A_257 = arith.constant 0 : i32
      %dma_wait3A_258 = arith.constant 0 : i32
      %dma_wait3A_259 = tpu.memref_slice %arg4[%dma_wait3A_257, %dma_wait3A_258] : memref<49408x768xf32, #tpu.memory_space<hbm>> -> memref<49408x768xf32, #tpu.memory_space<hbm>>
      tpu.wait_indirect_dma semaphore(%arg13 : memref<!tpu.dma_semaphore, #tpu.memory_space<semaphore_mem>>) src(%dma_wait3A_259 : memref<49408x768xf32, #tpu.memory_space<hbm>>) dst(%arg11 : memref<16x768xf32, #tpu.memory_space<vmem>>)
      %mul3A_260 = arith.constant 16 : i32
      %mul3A_261 = arith.muli %add3A_254, %mul3A_260 : i32
      %multiple_of3A_262 = tpu.assume_multiple %mul3A_261, 8 : i32
      %get3A_263 = arith.index_cast %multiple_of3A_262 : i32 to index
      %get3A_264 = tpu.vector_load %arg8[%get3A_263] {strides = array<i32>} : memref<2480xi32, #tpu.memory_space<vmem>>, vector<16xi32>,
      %scan3A_265 = arith.constant 0 : i32
      %scan3A_266 = arith.constant 0 : i32
      %scan3A_267 = arith.constant 16 : i32
      %scan3A_268 = arith.addi %scan3A_266, %scan3A_267 : i32
      %scan3A_269 = arith.constant 1 : i32
      scf.for %scan3A_284 = %scan3A_266 to %scan3A_268 step %scan3A_269  : i32 {
        %broadcast_in_dim3A = vector.broadcast %scan3A_284 : i32 to vector<16xi32>
        %lt3A_285 = arith.constant 0 : i32
        %lt3A_286 = vector.broadcast %lt3A_285 : i32 to vector<16xi32>
        %lt3A_287 = arith.cmpi slt, %broadcast_in_dim3A, %lt3A_286 : vector<16xi32>
        %add3A_288 = arith.constant 16 : i32
        %add3A_289 = vector.broadcast %add3A_288 : i32 to vector<16xi32>
        %add3A_290 = arith.addi %broadcast_in_dim3A, %add3A_289 : vector<16xi32>
        %select_n3A = arith.select %lt3A_287, %add3A_290, %broadcast_in_dim3A : vector<16xi1>, vector<16xi32>
        %broadcast_in_dim3A_291 = vector.shape_cast %select_n3A : vector<16xi32> to vector<16x1xi32>
        %gather3A = vector.shape_cast %broadcast_in_dim3A_291 : vector<16x1xi32> to vector<16xi32>
        %gather3A_292 = tpu.dynamic_gather %get3A_264[%gather3A] in [0] : vector<16xi32>, vector<16xi32> -> vector<16xi32>
        %add3A_293 = arith.addi %gather3A_292, %add3A_5 : vector<16xi32>
        %gather3A_294 = tpu.vector_load_idx %arg9[%add3A_293] : memref<59136xf32, #tpu.memory_space<vmem>>[vector<16xi32>], vector<16xf32>,
        %add3A_295 = arith.addi %gather3A_292, %add3A_9 : vector<16xi32>
        %gather3A_296 = tpu.vector_load_idx %arg9[%add3A_295] : memref<59136xf32, #tpu.memory_space<vmem>>[vector<16xi32>], vector<16xf32>,
        %add3A_297 = arith.addi %gather3A_292, %add3A_13 : vector<16xi32>
        %gather3A_298 = tpu.vector_load_idx %arg9[%add3A_297] : memref<59136xf32, #tpu.memory_space<vmem>>[vector<16xi32>], vector<16xf32>,
        %add3A_299 = arith.addi %gather3A_292, %add3A_17 : vector<16xi32>
        %gather3A_300 = tpu.vector_load_idx %arg9[%add3A_299] : memref<59136xf32, #tpu.memory_space<vmem>>[vector<16xi32>], vector<16xf32>,
        %add3A_301 = arith.addi %gather3A_292, %add3A_21 : vector<16xi32>
        %gather3A_302 = tpu.vector_load_idx %arg9[%add3A_301] : memref<59136xf32, #tpu.memory_space<vmem>>[vector<16xi32>], vector<16xf32>,
        %add3A_303 = arith.addi %gather3A_292, %add3A_25 : vector<16xi32>
        %gather3A_304 = tpu.vector_load_idx %arg9[%add3A_303] : memref<59136xf32, #tpu.memory_space<vmem>>[vector<16xi32>], vector<16xf32>,
        %add3A_305 = arith.addi %gather3A_292, %add3A_29 : vector<16xi32>
        %gather3A_306 = tpu.vector_load_idx %arg9[%add3A_305] : memref<59136xf32, #tpu.memory_space<vmem>>[vector<16xi32>], vector<16xf32>,
        %add3A_307 = arith.addi %gather3A_292, %add3A_33 : vector<16xi32>
        %gather3A_308 = tpu.vector_load_idx %arg9[%add3A_307] : memref<59136xf32, #tpu.memory_space<vmem>>[vector<16xi32>], vector<16xf32>,
        %swap3A = arith.index_cast %scan3A_284 : i32 to index
        %swap3A_309 = arith.constant 0 : index
        %swap3A_310 = tpu.vector_load %arg11[%swap3A, %swap3A_309] {strides = array<i32>} : memref<16x768xf32, #tpu.memory_space<vmem>>, vector<16xf32>,
        tpu.vector_store %arg11[%swap3A, %swap3A_309], %gather3A_294 {add = true, strides = array<i32>} : memref<16x768xf32, #tpu.memory_space<vmem>>, vector<16xf32>,
        %swap3A_311 = arith.index_cast %scan3A_284 : i32 to index
        %swap3A_312 = arith.constant 16 : index
        %swap3A_313 = tpu.vector_load %arg11[%swap3A_311, %swap3A_312] {strides = array<i32>} : memref<16x768xf32, #tpu.memory_space<vmem>>, vector<16xf32>,
        tpu.vector_store %arg11[%swap3A_311, %swap3A_312], %gather3A_296 {add = true, strides = array<i32>} : memref<16x768xf32, #tpu.memory_space<vmem>>, vector<16xf32>,
        %swap3A_314 = arith.index_cast %scan3A_284 : i32 to index
        %swap3A_315 = arith.constant 32 : index
        %swap3A_316 = tpu.vector_load %arg11[%swap3A_314, %swap3A_315] {strides = array<i32>} : memref<16x768xf32, #tpu.memory_space<vmem>>, vector<16xf32>,
        tpu.vector_store %arg11[%swap3A_314, %swap3A_315], %gather3A_298 {add = true, strides = array<i32>} : memref<16x768xf32, #tpu.memory_space<vmem>>, vector<16xf32>,
        %swap3A_317 = arith.index_cast %scan3A_284 : i32 to index
        %swap3A_318 = arith.constant 48 : index
        %swap3A_319 = tpu.vector_load %arg11[%swap3A_317, %swap3A_318] {strides = array<i32>} : memref<16x768xf32, #tpu.memory_space<vmem>>, vector<16xf32>,
        tpu.vector_store %arg11[%swap3A_317, %swap3A_318], %gather3A_300 {add = true, strides = array<i32>} : memref<16x768xf32, #tpu.memory_space<vmem>>, vector<16xf32>,
        %swap3A_320 = arith.index_cast %scan3A_284 : i32 to index
        %swap3A_321 = arith.constant 64 : index
        %swap3A_322 = tpu.vector_load %arg11[%swap3A_320, %swap3A_321] {strides = array<i32>} : memref<16x768xf32, #tpu.memory_space<vmem>>, vector<16xf32>,
        tpu.vector_store %arg11[%swap3A_320, %swap3A_321], %gather3A_302 {add = true, strides = array<i32>} : memref<16x768xf32, #tpu.memory_space<vmem>>, vector<16xf32>,
        %swap3A_323 = arith.index_cast %scan3A_284 : i32 to index
        %swap3A_324 = arith.constant 80 : index
        %swap3A_325 = tpu.vector_load %arg11[%swap3A_323, %swap3A_324] {strides = array<i32>} : memref<16x768xf32, #tpu.memory_space<vmem>>, vector<16xf32>,
        tpu.vector_store %arg11[%swap3A_323, %swap3A_324], %gather3A_304 {add = true, strides = array<i32>} : memref<16x768xf32, #tpu.memory_space<vmem>>, vector<16xf32>,
        %swap3A_326 = arith.index_cast %scan3A_284 : i32 to index
        %swap3A_327 = arith.constant 96 : index
        %swap3A_328 = tpu.vector_load %arg11[%swap3A_326, %swap3A_327] {strides = array<i32>} : memref<16x768xf32, #tpu.memory_space<vmem>>, vector<16xf32>,
        tpu.vector_store %arg11[%swap3A_326, %swap3A_327], %gather3A_306 {add = true, strides = array<i32>} : memref<16x768xf32, #tpu.memory_space<vmem>>, vector<16xf32>,
        %swap3A_329 = arith.index_cast %scan3A_284 : i32 to index
        %swap3A_330 = arith.constant 112 : index
        %swap3A_331 = tpu.vector_load %arg11[%swap3A_329, %swap3A_330] {strides = array<i32>} : memref<16x768xf32, #tpu.memory_space<vmem>>, vector<16xf32>,
        tpu.vector_store %arg11[%swap3A_329, %swap3A_330], %gather3A_308 {add = true, strides = array<i32>} : memref<16x768xf32, #tpu.memory_space<vmem>>, vector<16xf32>,
        %add3A_332 = arith.addi %gather3A_292, %add3A_37 : vector<16xi32>
        %gather3A_333 = tpu.vector_load_idx %arg9[%add3A_332] : memref<59136xf32, #tpu.memory_space<vmem>>[vector<16xi32>], vector<16xf32>,
        %add3A_334 = arith.addi %gather3A_292, %add3A_41 : vector<16xi32>
        %gather3A_335 = tpu.vector_load_idx %arg9[%add3A_334] : memref<59136xf32, #tpu.memory_space<vmem>>[vector<16xi32>], vector<16xf32>,
        %add3A_336 = arith.addi %gather3A_292, %add3A_45 : vector<16xi32>
        %gather3A_337 = tpu.vector_load_idx %arg9[%add3A_336] : memref<59136xf32, #tpu.memory_space<vmem>>[vector<16xi32>], vector<16xf32>,
        %add3A_338 = arith.addi %gather3A_292, %add3A_49 : vector<16xi32>
        %gather3A_339 = tpu.vector_load_idx %arg9[%add3A_338] : memref<59136xf32, #tpu.memory_space<vmem>>[vector<16xi32>], vector<16xf32>,
        %add3A_340 = arith.addi %gather3A_292, %add3A_53 : vector<16xi32>
        %gather3A_341 = tpu.vector_load_idx %arg9[%add3A_340] : memref<59136xf32, #tpu.memory_space<vmem>>[vector<16xi32>], vector<16xf32>,
        %add3A_342 = arith.addi %gather3A_292, %add3A_57 : vector<16xi32>
        %gather3A_343 = tpu.vector_load_idx %arg9[%add3A_342] : memref<59136xf32, #tpu.memory_space<vmem>>[vector<16xi32>], vector<16xf32>,
        %add3A_344 = arith.addi %gather3A_292, %add3A_61 : vector<16xi32>
        %gather3A_345 = tpu.vector_load_idx %arg9[%add3A_344] : memref<59136xf32, #tpu.memory_space<vmem>>[vector<16xi32>], vector<16xf32>,
        %add3A_346 = arith.addi %gather3A_292, %add3A_65 : vector<16xi32>
        %gather3A_347 = tpu.vector_load_idx %arg9[%add3A_346] : memref<59136xf32, #tpu.memory_space<vmem>>[vector<16xi32>], vector<16xf32>,
        %swap3A_348 = arith.index_cast %scan3A_284 : i32 to index
        %swap3A_349 = arith.constant 128 : index
        %swap3A_350 = tpu.vector_load %arg11[%swap3A_348, %swap3A_349] {strides = array<i32>} : memref<16x768xf32, #tpu.memory_space<vmem>>, vector<16xf32>,
        tpu.vector_store %arg11[%swap3A_348, %swap3A_349], %gather3A_333 {add = true, strides = array<i32>} : memref<16x768xf32, #tpu.memory_space<vmem>>, vector<16xf32>,
        %swap3A_351 = arith.index_cast %scan3A_284 : i32 to index
        %swap3A_352 = arith.constant 144 : index
        %swap3A_353 = tpu.vector_load %arg11[%swap3A_351, %swap3A_352] {strides = array<i32>} : memref<16x768xf32, #tpu.memory_space<vmem>>, vector<16xf32>,
        tpu.vector_store %arg11[%swap3A_351, %swap3A_352], %gather3A_335 {add = true, strides = array<i32>} : memref<16x768xf32, #tpu.memory_space<vmem>>, vector<16xf32>,
        %swap3A_354 = arith.index_cast %scan3A_284 : i32 to index
        %swap3A_355 = arith.constant 160 : index
        %swap3A_356 = tpu.vector_load %arg11[%swap3A_354, %swap3A_355] {strides = array<i32>} : memref<16x768xf32, #tpu.memory_space<vmem>>, vector<16xf32>,
        tpu.vector_store %arg11[%swap3A_354, %swap3A_355], %gather3A_337 {add = true, strides = array<i32>} : memref<16x768xf32, #tpu.memory_space<vmem>>, vector<16xf32>,
        %swap3A_357 = arith.index_cast %scan3A_284 : i32 to index
        %swap3A_358 = arith.constant 176 : index
        %swap3A_359 = tpu.vector_load %arg11[%swap3A_357, %swap3A_358] {strides = array<i32>} : memref<16x768xf32, #tpu.memory_space<vmem>>, vector<16xf32>,
        tpu.vector_store %arg11[%swap3A_357, %swap3A_358], %gather3A_339 {add = true, strides = array<i32>} : memref<16x768xf32, #tpu.memory_space<vmem>>, vector<16xf32>,
        %swap3A_360 = arith.index_cast %scan3A_284 : i32 to index
        %swap3A_361 = arith.constant 192 : index
        %swap3A_362 = tpu.vector_load %arg11[%swap3A_360, %swap3A_361] {strides = array<i32>} : memref<16x768xf32, #tpu.memory_space<vmem>>, vector<16xf32>,
        tpu.vector_store %arg11[%swap3A_360, %swap3A_361], %gather3A_341 {add = true, strides = array<i32>} : memref<16x768xf32, #tpu.memory_space<vmem>>, vector<16xf32>,
        %swap3A_363 = arith.index_cast %scan3A_284 : i32 to index
        %swap3A_364 = arith.constant 208 : index
        %swap3A_365 = tpu.vector_load %arg11[%swap3A_363, %swap3A_364] {strides = array<i32>} : memref<16x768xf32, #tpu.memory_space<vmem>>, vector<16xf32>,
        tpu.vector_store %arg11[%swap3A_363, %swap3A_364], %gather3A_343 {add = true, strides = array<i32>} : memref<16x768xf32, #tpu.memory_space<vmem>>, vector<16xf32>,
        %swap3A_366 = arith.index_cast %scan3A_284 : i32 to index
        %swap3A_367 = arith.constant 224 : index
        %swap3A_368 = tpu.vector_load %arg11[%swap3A_366, %swap3A_367] {strides = array<i32>} : memref<16x768xf32, #tpu.memory_space<vmem>>, vector<16xf32>,
        tpu.vector_store %arg11[%swap3A_366, %swap3A_367], %gather3A_345 {add = true, strides = array<i32>} : memref<16x768xf32, #tpu.memory_space<vmem>>, vector<16xf32>,
        %swap3A_369 = arith.index_cast %scan3A_284 : i32 to index
        %swap3A_370 = arith.constant 240 : index
        %swap3A_371 = tpu.vector_load %arg11[%swap3A_369, %swap3A_370] {strides = array<i32>} : memref<16x768xf32, #tpu.memory_space<vmem>>, vector<16xf32>,
        tpu.vector_store %arg11[%swap3A_369, %swap3A_370], %gather3A_347 {add = true, strides = array<i32>} : memref<16x768xf32, #tpu.memory_space<vmem>>, vector<16xf32>,
        %add3A_372 = arith.addi %gather3A_292, %add3A_69 : vector<16xi32>
        %gather3A_373 = tpu.vector_load_idx %arg9[%add3A_372] : memref<59136xf32, #tpu.memory_space<vmem>>[vector<16xi32>], vector<16xf32>,
        %add3A_374 = arith.addi %gather3A_292, %add3A_73 : vector<16xi32>
        %gather3A_375 = tpu.vector_load_idx %arg9[%add3A_374] : memref<59136xf32, #tpu.memory_space<vmem>>[vector<16xi32>], vector<16xf32>,
        %add3A_376 = arith.addi %gather3A_292, %add3A_77 : vector<16xi32>
        %gather3A_377 = tpu.vector_load_idx %arg9[%add3A_376] : memref<59136xf32, #tpu.memory_space<vmem>>[vector<16xi32>], vector<16xf32>,
        %add3A_378 = arith.addi %gather3A_292, %add3A_81 : vector<16xi32>
        %gather3A_379 = tpu.vector_load_idx %arg9[%add3A_378] : memref<59136xf32, #tpu.memory_space<vmem>>[vector<16xi32>], vector<16xf32>,
        %add3A_380 = arith.addi %gather3A_292, %add3A_85 : vector<16xi32>
        %gather3A_381 = tpu.vector_load_idx %arg9[%add3A_380] : memref<59136xf32, #tpu.memory_space<vmem>>[vector<16xi32>], vector<16xf32>,
        %add3A_382 = arith.addi %gather3A_292, %add3A_89 : vector<16xi32>
        %gather3A_383 = tpu.vector_load_idx %arg9[%add3A_382] : memref<59136xf32, #tpu.memory_space<vmem>>[vector<16xi32>], vector<16xf32>,
        %add3A_384 = arith.addi %gather3A_292, %add3A_93 : vector<16xi32>
        %gather3A_385 = tpu.vector_load_idx %arg9[%add3A_384] : memref<59136xf32, #tpu.memory_space<vmem>>[vector<16xi32>], vector<16xf32>,
        %add3A_386 = arith.addi %gather3A_292, %add3A_97 : vector<16xi32>
        %gather3A_387 = tpu.vector_load_idx %arg9[%add3A_386] : memref<59136xf32, #tpu.memory_space<vmem>>[vector<16xi32>], vector<16xf32>,
        %swap3A_388 = arith.index_cast %scan3A_284 : i32 to index
        %swap3A_389 = arith.constant 256 : index
        %swap3A_390 = tpu.vector_load %arg11[%swap3A_388, %swap3A_389] {strides = array<i32>} : memref<16x768xf32, #tpu.memory_space<vmem>>, vector<16xf32>,
        tpu.vector_store %arg11[%swap3A_388, %swap3A_389], %gather3A_373 {add = true, strides = array<i32>} : memref<16x768xf32, #tpu.memory_space<vmem>>, vector<16xf32>,
        %swap3A_391 = arith.index_cast %scan3A_284 : i32 to index
        %swap3A_392 = arith.constant 272 : index
        %swap3A_393 = tpu.vector_load %arg11[%swap3A_391, %swap3A_392] {strides = array<i32>} : memref<16x768xf32, #tpu.memory_space<vmem>>, vector<16xf32>,
        tpu.vector_store %arg11[%swap3A_391, %swap3A_392], %gather3A_375 {add = true, strides = array<i32>} : memref<16x768xf32, #tpu.memory_space<vmem>>, vector<16xf32>,
        %swap3A_394 = arith.index_cast %scan3A_284 : i32 to index
        %swap3A_395 = arith.constant 288 : index
        %swap3A_396 = tpu.vector_load %arg11[%swap3A_394, %swap3A_395] {strides = array<i32>} : memref<16x768xf32, #tpu.memory_space<vmem>>, vector<16xf32>,
        tpu.vector_store %arg11[%swap3A_394, %swap3A_395], %gather3A_377 {add = true, strides = array<i32>} : memref<16x768xf32, #tpu.memory_space<vmem>>, vector<16xf32>,
        %swap3A_397 = arith.index_cast %scan3A_284 : i32 to index
        %swap3A_398 = arith.constant 304 : index
        %swap3A_399 = tpu.vector_load %arg11[%swap3A_397, %swap3A_398] {strides = array<i32>} : memref<16x768xf32, #tpu.memory_space<vmem>>, vector<16xf32>,
        tpu.vector_store %arg11[%swap3A_397, %swap3A_398], %gather3A_379 {add = true, strides = array<i32>} : memref<16x768xf32, #tpu.memory_space<vmem>>, vector<16xf32>,
        %swap3A_400 = arith.index_cast %scan3A_284 : i32 to index
        %swap3A_401 = arith.constant 320 : index
        %swap3A_402 = tpu.vector_load %arg11[%swap3A_400, %swap3A_401] {strides = array<i32>} : memref<16x768xf32, #tpu.memory_space<vmem>>, vector<16xf32>,
        tpu.vector_store %arg11[%swap3A_400, %swap3A_401], %gather3A_381 {add = true, strides = array<i32>} : memref<16x768xf32, #tpu.memory_space<vmem>>, vector<16xf32>,
        %swap3A_403 = arith.index_cast %scan3A_284 : i32 to index
        %swap3A_404 = arith.constant 336 : index
        %swap3A_405 = tpu.vector_load %arg11[%swap3A_403, %swap3A_404] {strides = array<i32>} : memref<16x768xf32, #tpu.memory_space<vmem>>, vector<16xf32>,
        tpu.vector_store %arg11[%swap3A_403, %swap3A_404], %gather3A_383 {add = true, strides = array<i32>} : memref<16x768xf32, #tpu.memory_space<vmem>>, vector<16xf32>,
        %swap3A_406 = arith.index_cast %scan3A_284 : i32 to index
        %swap3A_407 = arith.constant 352 : index
        %swap3A_408 = tpu.vector_load %arg11[%swap3A_406, %swap3A_407] {strides = array<i32>} : memref<16x768xf32, #tpu.memory_space<vmem>>, vector<16xf32>,
        tpu.vector_store %arg11[%swap3A_406, %swap3A_407], %gather3A_385 {add = true, strides = array<i32>} : memref<16x768xf32, #tpu.memory_space<vmem>>, vector<16xf32>,
        %swap3A_409 = arith.index_cast %scan3A_284 : i32 to index
        %swap3A_410 = arith.constant 368 : index
        %swap3A_411 = tpu.vector_load %arg11[%swap3A_409, %swap3A_410] {strides = array<i32>} : memref<16x768xf32, #tpu.memory_space<vmem>>, vector<16xf32>,
        tpu.vector_store %arg11[%swap3A_409, %swap3A_410], %gather3A_387 {add = true, strides = array<i32>} : memref<16x768xf32, #tpu.memory_space<vmem>>, vector<16xf32>,
        %add3A_412 = arith.addi %gather3A_292, %add3A_101 : vector<16xi32>
        %gather3A_413 = tpu.vector_load_idx %arg9[%add3A_412] : memref<59136xf32, #tpu.memory_space<vmem>>[vector<16xi32>], vector<16xf32>,
        %add3A_414 = arith.addi %gather3A_292, %add3A_105 : vector<16xi32>
        %gather3A_415 = tpu.vector_load_idx %arg9[%add3A_414] : memref<59136xf32, #tpu.memory_space<vmem>>[vector<16xi32>], vector<16xf32>,
        %add3A_416 = arith.addi %gather3A_292, %add3A_109 : vector<16xi32>
        %gather3A_417 = tpu.vector_load_idx %arg9[%add3A_416] : memref<59136xf32, #tpu.memory_space<vmem>>[vector<16xi32>], vector<16xf32>,
        %add3A_418 = arith.addi %gather3A_292, %add3A_113 : vector<16xi32>
        %gather3A_419 = tpu.vector_load_idx %arg9[%add3A_418] : memref<59136xf32, #tpu.memory_space<vmem>>[vector<16xi32>], vector<16xf32>,
        %add3A_420 = arith.addi %gather3A_292, %add3A_117 : vector<16xi32>
        %gather3A_421 = tpu.vector_load_idx %arg9[%add3A_420] : memref<59136xf32, #tpu.memory_space<vmem>>[vector<16xi32>], vector<16xf32>,
        %add3A_422 = arith.addi %gather3A_292, %add3A_121 : vector<16xi32>
        %gather3A_423 = tpu.vector_load_idx %arg9[%add3A_422] : memref<59136xf32, #tpu.memory_space<vmem>>[vector<16xi32>], vector<16xf32>,
        %add3A_424 = arith.addi %gather3A_292, %add3A_125 : vector<16xi32>
        %gather3A_425 = tpu.vector_load_idx %arg9[%add3A_424] : memref<59136xf32, #tpu.memory_space<vmem>>[vector<16xi32>], vector<16xf32>,
        %add3A_426 = arith.addi %gather3A_292, %add3A_129 : vector<16xi32>
        %gather3A_427 = tpu.vector_load_idx %arg9[%add3A_426] : memref<59136xf32, #tpu.memory_space<vmem>>[vector<16xi32>], vector<16xf32>,
        %swap3A_428 = arith.index_cast %scan3A_284 : i32 to index
        %swap3A_429 = arith.constant 384 : index
        %swap3A_430 = tpu.vector_load %arg11[%swap3A_428, %swap3A_429] {strides = array<i32>} : memref<16x768xf32, #tpu.memory_space<vmem>>, vector<16xf32>,
        tpu.vector_store %arg11[%swap3A_428, %swap3A_429], %gather3A_413 {add = true, strides = array<i32>} : memref<16x768xf32, #tpu.memory_space<vmem>>, vector<16xf32>,
        %swap3A_431 = arith.index_cast %scan3A_284 : i32 to index
        %swap3A_432 = arith.constant 400 : index
        %swap3A_433 = tpu.vector_load %arg11[%swap3A_431, %swap3A_432] {strides = array<i32>} : memref<16x768xf32, #tpu.memory_space<vmem>>, vector<16xf32>,
        tpu.vector_store %arg11[%swap3A_431, %swap3A_432], %gather3A_415 {add = true, strides = array<i32>} : memref<16x768xf32, #tpu.memory_space<vmem>>, vector<16xf32>,
        %swap3A_434 = arith.index_cast %scan3A_284 : i32 to index
        %swap3A_435 = arith.constant 416 : index
        %swap3A_436 = tpu.vector_load %arg11[%swap3A_434, %swap3A_435] {strides = array<i32>} : memref<16x768xf32, #tpu.memory_space<vmem>>, vector<16xf32>,
        tpu.vector_store %arg11[%swap3A_434, %swap3A_435], %gather3A_417 {add = true, strides = array<i32>} : memref<16x768xf32, #tpu.memory_space<vmem>>, vector<16xf32>,
        %swap3A_437 = arith.index_cast %scan3A_284 : i32 to index
        %swap3A_438 = arith.constant 432 : index
        %swap3A_439 = tpu.vector_load %arg11[%swap3A_437, %swap3A_438] {strides = array<i32>} : memref<16x768xf32, #tpu.memory_space<vmem>>, vector<16xf32>,
        tpu.vector_store %arg11[%swap3A_437, %swap3A_438], %gather3A_419 {add = true, strides = array<i32>} : memref<16x768xf32, #tpu.memory_space<vmem>>, vector<16xf32>,
        %swap3A_440 = arith.index_cast %scan3A_284 : i32 to index
        %swap3A_441 = arith.constant 448 : index
        %swap3A_442 = tpu.vector_load %arg11[%swap3A_440, %swap3A_441] {strides = array<i32>} : memref<16x768xf32, #tpu.memory_space<vmem>>, vector<16xf32>,
        tpu.vector_store %arg11[%swap3A_440, %swap3A_441], %gather3A_421 {add = true, strides = array<i32>} : memref<16x768xf32, #tpu.memory_space<vmem>>, vector<16xf32>,
        %swap3A_443 = arith.index_cast %scan3A_284 : i32 to index
        %swap3A_444 = arith.constant 464 : index
        %swap3A_445 = tpu.vector_load %arg11[%swap3A_443, %swap3A_444] {strides = array<i32>} : memref<16x768xf32, #tpu.memory_space<vmem>>, vector<16xf32>,
        tpu.vector_store %arg11[%swap3A_443, %swap3A_444], %gather3A_423 {add = true, strides = array<i32>} : memref<16x768xf32, #tpu.memory_space<vmem>>, vector<16xf32>,
        %swap3A_446 = arith.index_cast %scan3A_284 : i32 to index
        %swap3A_447 = arith.constant 480 : index
        %swap3A_448 = tpu.vector_load %arg11[%swap3A_446, %swap3A_447] {strides = array<i32>} : memref<16x768xf32, #tpu.memory_space<vmem>>, vector<16xf32>,
        tpu.vector_store %arg11[%swap3A_446, %swap3A_447], %gather3A_425 {add = true, strides = array<i32>} : memref<16x768xf32, #tpu.memory_space<vmem>>, vector<16xf32>,
        %swap3A_449 = arith.index_cast %scan3A_284 : i32 to index
        %swap3A_450 = arith.constant 496 : index
        %swap3A_451 = tpu.vector_load %arg11[%swap3A_449, %swap3A_450] {strides = array<i32>} : memref<16x768xf32, #tpu.memory_space<vmem>>, vector<16xf32>,
        tpu.vector_store %arg11[%swap3A_449, %swap3A_450], %gather3A_427 {add = true, strides = array<i32>} : memref<16x768xf32, #tpu.memory_space<vmem>>, vector<16xf32>,
        %add3A_452 = arith.addi %gather3A_292, %add3A_133 : vector<16xi32>
        %gather3A_453 = tpu.vector_load_idx %arg9[%add3A_452] : memref<59136xf32, #tpu.memory_space<vmem>>[vector<16xi32>], vector<16xf32>,
        %add3A_454 = arith.addi %gather3A_292, %add3A_137 : vector<16xi32>
        %gather3A_455 = tpu.vector_load_idx %arg9[%add3A_454] : memref<59136xf32, #tpu.memory_space<vmem>>[vector<16xi32>], vector<16xf32>,
        %add3A_456 = arith.addi %gather3A_292, %add3A_141 : vector<16xi32>
        %gather3A_457 = tpu.vector_load_idx %arg9[%add3A_456] : memref<59136xf32, #tpu.memory_space<vmem>>[vector<16xi32>], vector<16xf32>,
        %add3A_458 = arith.addi %gather3A_292, %add3A_145 : vector<16xi32>
        %gather3A_459 = tpu.vector_load_idx %arg9[%add3A_458] : memref<59136xf32, #tpu.memory_space<vmem>>[vector<16xi32>], vector<16xf32>,
        %add3A_460 = arith.addi %gather3A_292, %add3A_149 : vector<16xi32>
        %gather3A_461 = tpu.vector_load_idx %arg9[%add3A_460] : memref<59136xf32, #tpu.memory_space<vmem>>[vector<16xi32>], vector<16xf32>,
        %add3A_462 = arith.addi %gather3A_292, %add3A_153 : vector<16xi32>
        %gather3A_463 = tpu.vector_load_idx %arg9[%add3A_462] : memref<59136xf32, #tpu.memory_space<vmem>>[vector<16xi32>], vector<16xf32>,
        %add3A_464 = arith.addi %gather3A_292, %add3A_157 : vector<16xi32>
        %gather3A_465 = tpu.vector_load_idx %arg9[%add3A_464] : memref<59136xf32, #tpu.memory_space<vmem>>[vector<16xi32>], vector<16xf32>,
        %add3A_466 = arith.addi %gather3A_292, %add3A_161 : vector<16xi32>
        %gather3A_467 = tpu.vector_load_idx %arg9[%add3A_466] : memref<59136xf32, #tpu.memory_space<vmem>>[vector<16xi32>], vector<16xf32>,
        %swap3A_468 = arith.index_cast %scan3A_284 : i32 to index
        %swap3A_469 = arith.constant 512 : index
        %swap3A_470 = tpu.vector_load %arg11[%swap3A_468, %swap3A_469] {strides = array<i32>} : memref<16x768xf32, #tpu.memory_space<vmem>>, vector<16xf32>,
        tpu.vector_store %arg11[%swap3A_468, %swap3A_469], %gather3A_453 {add = true, strides = array<i32>} : memref<16x768xf32, #tpu.memory_space<vmem>>, vector<16xf32>,
        %swap3A_471 = arith.index_cast %scan3A_284 : i32 to index
        %swap3A_472 = arith.constant 528 : index
        %swap3A_473 = tpu.vector_load %arg11[%swap3A_471, %swap3A_472] {strides = array<i32>} : memref<16x768xf32, #tpu.memory_space<vmem>>, vector<16xf32>,
        tpu.vector_store %arg11[%swap3A_471, %swap3A_472], %gather3A_455 {add = true, strides = array<i32>} : memref<16x768xf32, #tpu.memory_space<vmem>>, vector<16xf32>,
        %swap3A_474 = arith.index_cast %scan3A_284 : i32 to index
        %swap3A_475 = arith.constant 544 : index
        %swap3A_476 = tpu.vector_load %arg11[%swap3A_474, %swap3A_475] {strides = array<i32>} : memref<16x768xf32, #tpu.memory_space<vmem>>, vector<16xf32>,
        tpu.vector_store %arg11[%swap3A_474, %swap3A_475], %gather3A_457 {add = true, strides = array<i32>} : memref<16x768xf32, #tpu.memory_space<vmem>>, vector<16xf32>,
        %swap3A_477 = arith.index_cast %scan3A_284 : i32 to index
        %swap3A_478 = arith.constant 560 : index
        %swap3A_479 = tpu.vector_load %arg11[%swap3A_477, %swap3A_478] {strides = array<i32>} : memref<16x768xf32, #tpu.memory_space<vmem>>, vector<16xf32>,
        tpu.vector_store %arg11[%swap3A_477, %swap3A_478], %gather3A_459 {add = true, strides = array<i32>} : memref<16x768xf32, #tpu.memory_space<vmem>>, vector<16xf32>,
        %swap3A_480 = arith.index_cast %scan3A_284 : i32 to index
        %swap3A_481 = arith.constant 576 : index
        %swap3A_482 = tpu.vector_load %arg11[%swap3A_480, %swap3A_481] {strides = array<i32>} : memref<16x768xf32, #tpu.memory_space<vmem>>, vector<16xf32>,
        tpu.vector_store %arg11[%swap3A_480, %swap3A_481], %gather3A_461 {add = true, strides = array<i32>} : memref<16x768xf32, #tpu.memory_space<vmem>>, vector<16xf32>,
        %swap3A_483 = arith.index_cast %scan3A_284 : i32 to index
        %swap3A_484 = arith.constant 592 : index
        %swap3A_485 = tpu.vector_load %arg11[%swap3A_483, %swap3A_484] {strides = array<i32>} : memref<16x768xf32, #tpu.memory_space<vmem>>, vector<16xf32>,
        tpu.vector_store %arg11[%swap3A_483, %swap3A_484], %gather3A_463 {add = true, strides = array<i32>} : memref<16x768xf32, #tpu.memory_space<vmem>>, vector<16xf32>,
        %swap3A_486 = arith.index_cast %scan3A_284 : i32 to index
        %swap3A_487 = arith.constant 608 : index
        %swap3A_488 = tpu.vector_load %arg11[%swap3A_486, %swap3A_487] {strides = array<i32>} : memref<16x768xf32, #tpu.memory_space<vmem>>, vector<16xf32>,
        tpu.vector_store %arg11[%swap3A_486, %swap3A_487], %gather3A_465 {add = true, strides = array<i32>} : memref<16x768xf32, #tpu.memory_space<vmem>>, vector<16xf32>,
        %swap3A_489 = arith.index_cast %scan3A_284 : i32 to index
        %swap3A_490 = arith.constant 624 : index
        %swap3A_491 = tpu.vector_load %arg11[%swap3A_489, %swap3A_490] {strides = array<i32>} : memref<16x768xf32, #tpu.memory_space<vmem>>, vector<16xf32>,
        tpu.vector_store %arg11[%swap3A_489, %swap3A_490], %gather3A_467 {add = true, strides = array<i32>} : memref<16x768xf32, #tpu.memory_space<vmem>>, vector<16xf32>,
        %add3A_492 = arith.addi %gather3A_292, %add3A_165 : vector<16xi32>
        %gather3A_493 = tpu.vector_load_idx %arg9[%add3A_492] : memref<59136xf32, #tpu.memory_space<vmem>>[vector<16xi32>], vector<16xf32>,
        %add3A_494 = arith.addi %gather3A_292, %add3A_169 : vector<16xi32>
        %gather3A_495 = tpu.vector_load_idx %arg9[%add3A_494] : memref<59136xf32, #tpu.memory_space<vmem>>[vector<16xi32>], vector<16xf32>,
        %add3A_496 = arith.addi %gather3A_292, %add3A_173 : vector<16xi32>
        %gather3A_497 = tpu.vector_load_idx %arg9[%add3A_496] : memref<59136xf32, #tpu.memory_space<vmem>>[vector<16xi32>], vector<16xf32>,
        %add3A_498 = arith.addi %gather3A_292, %add3A_177 : vector<16xi32>
        %gather3A_499 = tpu.vector_load_idx %arg9[%add3A_498] : memref<59136xf32, #tpu.memory_space<vmem>>[vector<16xi32>], vector<16xf32>,
        %add3A_500 = arith.addi %gather3A_292, %add3A_181 : vector<16xi32>
        %gather3A_501 = tpu.vector_load_idx %arg9[%add3A_500] : memref<59136xf32, #tpu.memory_space<vmem>>[vector<16xi32>], vector<16xf32>,
        %add3A_502 = arith.addi %gather3A_292, %add3A_185 : vector<16xi32>
        %gather3A_503 = tpu.vector_load_idx %arg9[%add3A_502] : memref<59136xf32, #tpu.memory_space<vmem>>[vector<16xi32>], vector<16xf32>,
        %add3A_504 = arith.addi %gather3A_292, %add3A_189 : vector<16xi32>
        %gather3A_505 = tpu.vector_load_idx %arg9[%add3A_504] : memref<59136xf32, #tpu.memory_space<vmem>>[vector<16xi32>], vector<16xf32>,
        %add3A_506 = arith.addi %gather3A_292, %add3A_193 : vector<16xi32>
        %gather3A_507 = tpu.vector_load_idx %arg9[%add3A_506] : memref<59136xf32, #tpu.memory_space<vmem>>[vector<16xi32>], vector<16xf32>,
        %swap3A_508 = arith.index_cast %scan3A_284 : i32 to index
        %swap3A_509 = arith.constant 640 : index
        %swap3A_510 = tpu.vector_load %arg11[%swap3A_508, %swap3A_509] {strides = array<i32>} : memref<16x768xf32, #tpu.memory_space<vmem>>, vector<16xf32>,
        tpu.vector_store %arg11[%swap3A_508, %swap3A_509], %gather3A_493 {add = true, strides = array<i32>} : memref<16x768xf32, #tpu.memory_space<vmem>>, vector<16xf32>,
        %swap3A_511 = arith.index_cast %scan3A_284 : i32 to index
        %swap3A_512 = arith.constant 656 : index
        %swap3A_513 = tpu.vector_load %arg11[%swap3A_511, %swap3A_512] {strides = array<i32>} : memref<16x768xf32, #tpu.memory_space<vmem>>, vector<16xf32>,
        tpu.vector_store %arg11[%swap3A_511, %swap3A_512], %gather3A_495 {add = true, strides = array<i32>} : memref<16x768xf32, #tpu.memory_space<vmem>>, vector<16xf32>,
        %swap3A_514 = arith.index_cast %scan3A_284 : i32 to index
        %swap3A_515 = arith.constant 672 : index
        %swap3A_516 = tpu.vector_load %arg11[%swap3A_514, %swap3A_515] {strides = array<i32>} : memref<16x768xf32, #tpu.memory_space<vmem>>, vector<16xf32>,
        tpu.vector_store %arg11[%swap3A_514, %swap3A_515], %gather3A_497 {add = true, strides = array<i32>} : memref<16x768xf32, #tpu.memory_space<vmem>>, vector<16xf32>,
        %swap3A_517 = arith.index_cast %scan3A_284 : i32 to index
        %swap3A_518 = arith.constant 688 : index
        %swap3A_519 = tpu.vector_load %arg11[%swap3A_517, %swap3A_518] {strides = array<i32>} : memref<16x768xf32, #tpu.memory_space<vmem>>, vector<16xf32>,
        tpu.vector_store %arg11[%swap3A_517, %swap3A_518], %gather3A_499 {add = true, strides = array<i32>} : memref<16x768xf32, #tpu.memory_space<vmem>>, vector<16xf32>,
        %swap3A_520 = arith.index_cast %scan3A_284 : i32 to index
        %swap3A_521 = arith.constant 704 : index
        %swap3A_522 = tpu.vector_load %arg11[%swap3A_520, %swap3A_521] {strides = array<i32>} : memref<16x768xf32, #tpu.memory_space<vmem>>, vector<16xf32>,
        tpu.vector_store %arg11[%swap3A_520, %swap3A_521], %gather3A_501 {add = true, strides = array<i32>} : memref<16x768xf32, #tpu.memory_space<vmem>>, vector<16xf32>,
        %swap3A_523 = arith.index_cast %scan3A_284 : i32 to index
        %swap3A_524 = arith.constant 720 : index
        %swap3A_525 = tpu.vector_load %arg11[%swap3A_523, %swap3A_524] {strides = array<i32>} : memref<16x768xf32, #tpu.memory_space<vmem>>, vector<16xf32>,
        tpu.vector_store %arg11[%swap3A_523, %swap3A_524], %gather3A_503 {add = true, strides = array<i32>} : memref<16x768xf32, #tpu.memory_space<vmem>>, vector<16xf32>,
        %swap3A_526 = arith.index_cast %scan3A_284 : i32 to index
        %swap3A_527 = arith.constant 736 : index
        %swap3A_528 = tpu.vector_load %arg11[%swap3A_526, %swap3A_527] {strides = array<i32>} : memref<16x768xf32, #tpu.memory_space<vmem>>, vector<16xf32>,
        tpu.vector_store %arg11[%swap3A_526, %swap3A_527], %gather3A_505 {add = true, strides = array<i32>} : memref<16x768xf32, #tpu.memory_space<vmem>>, vector<16xf32>,
        %swap3A_529 = arith.index_cast %scan3A_284 : i32 to index
        %swap3A_530 = arith.constant 752 : index
        %swap3A_531 = tpu.vector_load %arg11[%swap3A_529, %swap3A_530] {strides = array<i32>} : memref<16x768xf32, #tpu.memory_space<vmem>>, vector<16xf32>,
        tpu.vector_store %arg11[%swap3A_529, %swap3A_530], %gather3A_507 {add = true, strides = array<i32>} : memref<16x768xf32, #tpu.memory_space<vmem>>, vector<16xf32>,
      }
      %scan3A_270 = arith.constant 16 : i32
      %mul3A_271 = arith.constant 16 : i32
      %mul3A_272 = arith.muli %add3A_254, %mul3A_271 : i32
      %add3A_273 = arith.addi %multiple_of3A, %mul3A_272 : i32
      %multiple_of3A_274 = tpu.assume_multiple %add3A_273, 8 : i32
      %dma_start3A_275 = arith.constant 0 : i32
      %dma_start3A_276 = tpu.memref_slice %arg6[%multiple_of3A_274, %dma_start3A_275] : memref<78848x768xf32, #tpu.memory_space<hbm>> -> memref<16x768xf32, #tpu.memory_space<hbm>>
      %dma_start3A_277 = arith.constant 0 : i32
      %dma_start3A_278 = tpu.memref_slice %arg6[%multiple_of3A_274, %dma_start3A_277] : memref<78848x768xf32, #tpu.memory_space<hbm>> -> memref<16x768xf32, #tpu.memory_space<hbm>>
      tpu.enqueue_dma source(%arg11 : memref<16x768xf32, #tpu.memory_space<vmem>>) target(%dma_start3A_278 : memref<16x768xf32, #tpu.memory_space<hbm>>) target_semaphore(%arg15 : memref<!tpu.dma_semaphore, #tpu.memory_space<semaphore_mem>>)
      %lt3A_279 = arith.constant 152 : i32
      %lt3A_280 = arith.cmpi slt, %add3A_254, %lt3A_279 : i32
      %convert_element_type3A_281 = arith.extui %lt3A_280 : i1 to i32
      %cond3A_282 = arith.constant 0 : i32
      %cond3A_283 = arith.cmpi ne, %convert_element_type3A_281, %cond3A_282 : i32
      scf.if %cond3A_283 {
        %dma_wait3A_284 = arith.constant 0 : i32
        %dma_wait3A_285 = arith.constant 0 : i32
        %dma_wait3A_286 = tpu.memref_slice %arg6[%dma_wait3A_284, %dma_wait3A_285] : memref<78848x768xf32, #tpu.memory_space<hbm>> -> memref<16x768xf32, #tpu.memory_space<hbm>>
        %dma_wait3A_287 = arith.constant 0 : i32
        %dma_wait3A_288 = arith.constant 0 : i32
        %dma_wait3A_289 = tpu.memref_slice %arg6[%dma_wait3A_287, %dma_wait3A_288] : memref<78848x768xf32, #tpu.memory_space<hbm>> -> memref<16x768xf32, #tpu.memory_space<hbm>>
        tpu.wait_dma2 semaphore(%arg15 : memref<!tpu.dma_semaphore, #tpu.memory_space<semaphore_mem>>) src(%arg11 : memref<16x768xf32, #tpu.memory_space<vmem>>) dst(%dma_wait3A_289 : memref<16x768xf32, #tpu.memory_space<hbm>>)
        %add3A_290 = arith.constant 2 : i32
        %add3A_291 = arith.addi %add3A_254, %add3A_290 : i32
        %mul3A_292 = arith.constant 16 : i32
        %mul3A_293 = arith.muli %add3A_291, %mul3A_292 : i32
        %multiple_of3A_294 = tpu.assume_multiple %mul3A_293, 8 : i32
        %dma_start3A_295 = tpu.memref_slice %arg7[%multiple_of3A_294] : memref<2464xi32, #tpu.memory_space<vmem>> -> memref<16xi32, #tpu.memory_space<vmem>>
        %dma_start3A_296 = arith.constant 0 : i32
        %dma_start3A_297 = arith.constant 0 : i32
        %dma_start3A_298 = tpu.memref_slice %arg4[%dma_start3A_296, %dma_start3A_297] : memref<49408x768xf32, #tpu.memory_space<hbm>> -> memref<49408x768xf32, #tpu.memory_space<hbm>>
        tpu.enqueue_indirect_dma source(%dma_start3A_298 : memref<49408x768xf32, #tpu.memory_space<hbm>>) target(%arg11 : memref<16x768xf32, #tpu.memory_space<vmem>>) offsets(%dma_start3A_295 : memref<16xi32, #tpu.memory_space<vmem>>) semaphore(%arg13 : memref<!tpu.dma_semaphore, #tpu.memory_space<semaphore_mem>>)
      } else {
      }
    }
    %scan3A_209 = arith.constant 77 : i32
    %dma_wait3A = arith.constant 0 : i32
    %dma_wait3A_210 = arith.constant 0 : i32
    %dma_wait3A_211 = tpu.memref_slice %arg6[%dma_wait3A, %dma_wait3A_210] : memref<78848x768xf32, #tpu.memory_space<hbm>> -> memref<16x768xf32, #tpu.memory_space<hbm>>
    %dma_wait3A_212 = arith.constant 0 : i32
    %dma_wait3A_213 = arith.constant 0 : i32
    %dma_wait3A_214 = tpu.memref_slice %arg6[%dma_wait3A_212, %dma_wait3A_213] : memref<78848x768xf32, #tpu.memory_space<hbm>> -> memref<16x768xf32, #tpu.memory_space<hbm>>
    tpu.wait_dma2 semaphore(%arg14 : memref<!tpu.dma_semaphore, #tpu.memory_space<semaphore_mem>>) src(%arg10 : memref<16x768xf32, #tpu.memory_space<vmem>>) dst(%dma_wait3A_214 : memref<16x768xf32, #tpu.memory_space<hbm>>)
    %dma_wait3A_215 = arith.constant 0 : i32
    %dma_wait3A_216 = arith.constant 0 : i32
    %dma_wait3A_217 = tpu.memref_slice %arg6[%dma_wait3A_215, %dma_wait3A_216] : memref<78848x768xf32, #tpu.memory_space<hbm>> -> memref<16x768xf32, #tpu.memory_space<hbm>>
    %dma_wait3A_218 = arith.constant 0 : i32
    %dma_wait3A_219 = arith.constant 0 : i32
    %dma_wait3A_220 = tpu.memref_slice %arg6[%dma_wait3A_218, %dma_wait3A_219] : memref<78848x768xf32, #tpu.memory_space<hbm>> -> memref<16x768xf32, #tpu.memory_space<hbm>>
    tpu.wait_dma2 semaphore(%arg15 : memref<!tpu.dma_semaphore, #tpu.memory_space<semaphore_mem>>) src(%arg11 : memref<16x768xf32, #tpu.memory_space<vmem>>) dst(%dma_wait3A_220 : memref<16x768xf32, #tpu.memory_space<hbm>>)
    return
  }
}

</mosaic_0001>

<sc_bundles>
// kernel: kernel.3.cloned.1.call-start
scs
__scs_entry_jumppad:
0x0: {  	(pc) =	sbr.rel $0x88, $3  }
0x1: {  	(tag) =	ssettag $0x0;
	lr =	simm.s32 $0x1  }
0x2: {  	[smem:$0x3F9D] =	sst lr;
	_ =	strace $0xD0000000  }
0x3: {  	_ = 	snop  }
0x4: {  	_ = 	snop  }
0x5: {  	_ = 	snop  }
0x6: {  	_ = 	snop  }
0x7: {  	_ = 	snop  }
__scs_overlays_trampoline_lowered:
0x8: {  	[smem:$0x3FAC] =	sst s0  }
0x9: {  	[smem:$0x3FAD] =	sst s1  }
0xa: {  	[smem:$0x3FAE] =	sst s2  }
0xb: {  	[smem:$0x3FAF] =	sst s3  }
0xc: {  	[smem:$0x3FB0] =	sst s4  }
0xd: {  	[smem:$0x3FB1] =	sst s5  }
0xe: {  	[smem:$0x3FB2] =	sst s6  }
0xf: {  	[smem:$0x3FB3] =	sst s7  }
0x10: {  	[smem:$0x3FB4] =	sst s8  }
0x11: {  	[smem:$0x3FB5] =	sst s9;
	s0 =	simm.s32 @!p0 $0x0  }
0x12: {  	s1 =	sld [smem:$0x3F9B];
	s0 =	simm.s32 @p0 $0x1  }
0x13: {  	[smem:$0x3FB6] =	sst s0;
	s0 =	simm.s32 @!p1 $0x0  }
0x14: {  	s2 =	sld [smem:$0x3F9A];
	s0 =	simm.s32 @p1 $0x1  }
0x15: {  	[smem:$0x3FB7] =	sst s0;
	s0 =	simm.s32 @!p2 $0x0  }
0x16: {  	s3 =	sld [smem:$0x3FDB];
	s0 =	simm.s32 @p2 $0x1  }
0x17: {  	s4 =	simm.s32 $0x1BF5;
	[smem:$0x3FB9] =	sst s0  }
0x18: {  	s0 =	sld [smem:$0x3F9C];
	_ =	swait.ge [sflag:s4], $0x0  }
0x19: {  	s7 =	sld [smem:$0x3F9D]  }
0x1a: {  	s8 =	sadd.s32 $0xFFFFE003, lr  }
0x1b: {  	s9 =	sadd.s32 $0xFFFFFEF7, lr;
	s5 =	simm.s32 $0xFFFFFFFF;
	p2 =	slt.u32 s8, $0xFFFFF086  }
0x1c: {  	p1 =	slt.u32 s9, $0xF7A;
	s5 =	simm.s32 @!p2 $0x0  }
0x1d: {  	s5 =	simm.s32 @p1 $0x1;
	p0 =	seq.s32 s7, s2  }
0x1e: {  	s7 =	smul.u32 @!p0 $0xF7A, s2;
	p2 =	seq.s32 @!p0 s5, $0x0  }
0x1f: {  	s9 =	smul.u32 $0xF7A, s1;
	s8 =	simm.s32 @!p0 $0x1BF5;
	p2 =	por !p2, p0  }
0x20: {  	[sflag:s8] =	ssyncset.s32 @!p0 $0xFFFFF086;
	s6 =	sadd.s32 @!p0 s3, s7;
	s7 =	simm.s32 @!p0 $0x108  }
0x21: {  	s3 =	sadd.s32 s3, s9;
	s6 =	sadd.s32 @!p0 $0x88, s6;
	s7 =	simm.s32 @p2 $0x1082  }
0x22: {  	[simem:s7], [sflag:s8] =	dma.local @!p0 [hbm:s6], $0xF7A  }
0x23: {  	s9 =	sor.u32 $0xD0000000, s2;
	s6 =	simm.s32 $0x108;
	_ =	swait.ge @!p0 [sflag:s8], $0x0  }
0x24: {  	s3 =	sadd.s32 $0x88, s3;
	s6 =	simm.s32 @!p1 $0x1082;
	[sflag:s4] =	ssyncset.s32 $0xFFFFF086  }
0x25: {  	[simem:s6], [sflag:s4] =	dma.local [hbm:s3], $0xF7A  }
0x26: {  	[smem:$0x3F9D] =	sst s1;
	(tag) =	ssettag s2;
	_ =	strace s9  }
0x27: {  	s1 =	sld [smem:$0x3FAD]  }
0x28: {  	s2 =	sld [smem:$0x3FAE]  }
0x29: {  	s4 =	sld [smem:$0x3FB0]  }
0x2a: {  	p0 =	seq.s32 s5, $0x0;
	s5 =	sld [smem:$0x3FB1]  }
0x2b: {  	s6 =	sld [smem:$0x3FB2]  }
0x2c: {  	s7 =	sld [smem:$0x3FB3]  }
0x2d: {  	s3 =	simm.s32 $0x108;
	s8 =	sld [smem:$0x3FB4]  }
0x2e: {  	s3 =	simm.s32 @!p0 $0x1082;
	s9 =	sld [smem:$0x3FB5]  }
0x2f: {  	lr =	sadd.s32 s0, s3;
	s0 =	sld [smem:$0x3FAC]  }
0x30: {  	s3 =	sld [smem:$0x3FAF]  }
0x31: {  	[smem:$0x3FB8] =	sst s10  }
0x32: {  	s10 =	sld [smem:$0x3FB6];
	_ =	sdelay $0x3  }
0x33: {  	p0 =	seq.s32 s10, $0x1;
	s10 =	sld [smem:$0x3FB8];
	_ =	sdelay $0x3  }
0x34: {  	[smem:$0x3FB8] =	sst s10  }
0x35: {  	s10 =	sld [smem:$0x3FB7];
	_ =	sdelay $0x3  }
0x36: {  	p1 =	seq.s32 s10, $0x1;
	s10 =	sld [smem:$0x3FB8];
	_ =	sdelay $0x3  }
0x37: {  	[smem:$0x3FB8] =	sst s10  }
0x38: {  	s10 =	sld [smem:$0x3FB9]  }
0x39: {  	_ = 	snop;
	(pc) =	sbr.ind lr, $3  }
0x3a: {  	_ = 	snop  }
0x3b: {  	_ = 	snop  }
0x3c: {  	p2 =	seq.s32 s10, $0x1;
	s10 =	sld [smem:$0x3FB8]  }
0x3d: {  	_ =	shalt  }
0x3e: {  	_ =	shalt  }
0x3f: {  	_ =	shalt  }
0x40: {  	_ =	shalt  }
0x41: {  	_ =	shalt  }
0x42: {  	_ =	shalt  }
0x43: {  	_ =	shalt  }
0x44: {  	_ =	shalt  }
0x45: {  	_ =	shalt  }
0x46: {  	_ =	shalt  }
0x47: {  	_ =	shalt  }
0x48: {  	_ =	shalt  }
0x49: {  	_ =	shalt  }
0x4a: {  	_ =	shalt  }
0x4b: {  	_ =	shalt  }
0x4c: {  	_ =	shalt  }
0x4d: {  	_ =	shalt  }
0x4e: {  	_ =	shalt  }
0x4f: {  	_ =	shalt  }
0x50: {  	_ =	shalt  }
0x51: {  	_ =	shalt  }
0x52: {  	_ =	shalt  }
0x53: {  	_ =	shalt  }
0x54: {  	_ =	shalt  }
0x55: {  	_ =	shalt  }
0x56: {  	_ =	shalt  }
0x57: {  	_ =	shalt  }
0x58: {  	_ =	shalt  }
0x59: {  	_ =	shalt  }
0x5a: {  	_ =	shalt  }
0x5b: {  	_ =	shalt  }
0x5c: {  	_ =	shalt  }
0x5d: {  	_ =	shalt  }
0x5e: {  	_ =	shalt  }
0x5f: {  	_ =	shalt  }
0x60: {  	_ =	shalt  }
0x61: {  	_ =	shalt  }
0x62: {  	_ =	shalt  }
0x63: {  	_ =	shalt  }
0x64: {  	_ =	shalt  }
0x65: {  	_ =	shalt  }
0x66: {  	_ =	shalt  }
0x67: {  	_ =	shalt  }
0x68: {  	_ =	shalt  }
0x69: {  	_ =	shalt  }
0x6a: {  	_ =	shalt  }
0x6b: {  	_ =	shalt  }
0x6c: {  	_ =	shalt  }
0x6d: {  	_ =	shalt  }
0x6e: {  	_ =	shalt  }
0x6f: {  	_ =	shalt  }
0x70: {  	_ =	shalt  }
0x71: {  	_ =	shalt  }
0x72: {  	_ =	shalt  }
0x73: {  	_ =	shalt  }
0x74: {  	_ =	shalt  }
0x75: {  	_ =	shalt  }
0x76: {  	_ =	shalt  }
0x77: {  	_ =	shalt  }
0x78: {  	_ =	shalt  }
0x79: {  	_ =	shalt  }
0x7a: {  	_ =	shalt  }
0x7b: {  	_ =	shalt  }
0x7c: {  	_ =	shalt  }
0x7d: {  	_ =	shalt  }
0x7e: {  	_ =	shalt  }
0x7f: {  	_ =	shalt  }
0x80: {  	_ =	shalt  }
0x81: {  	_ =	shalt  }
0x82: {  	_ =	shalt  }
0x83: {  	_ =	shalt  }
0x84: {  	_ =	shalt  }
0x85: {  	_ =	shalt  }
0x86: {  	_ =	shalt  }
0x87: {  	_ =	shalt  }
.Lfunc_end0:
.L_simem_size_0:
called_computation.1_lowered:
.L_overlay_start_0:
0x88: {  	s2 =	sld [smem:$0x3FD9]  }
0x89: {  	s3 =	sld [smem:$0x3FFE];
	_ =	sdelay $0x1  }
0x8a: {  	s1 =	srdreg.scid  }
0x8b: {  	s0 =	sand.u32 $0x1, s1  }
0x8c: {  	s17 =	sshll.u32 s0, $0xA;
	s2 =	sadd.s32 s3, s2  }
0x8d: {  	s2 =	sadd.s32 s2, s17  }
0x8e: {  	[smem:$0x3FC4] =	sst s2  }
0x8f: {  	_ = 	snop  }
0x90: {  	s2 =	sld [smem:$0x3FD0];
	(tm) =	ssettm $0x1  }
0x91: {  	s18 =	sld [smem:$0x3FFB];
	_ =	sdelay $0x3  }
0x92: {  	_ =	strace s18  }
0x93: {  	s3 =	sld [smem:$0x3FFC];
	_ =	sdelay $0x3  }
0x94: {  	_ =	strace s3  }
0x95: {  	s3 =	sld [smem:$0x3FFD];
	_ =	sdelay $0x3  }
0x96: {  	_ =	strace s3  }
0x97: {  	_ =	strace $0x8FFFFFFF  }
0x98: {  	s19 =	sld [smem:$0x3FDB];
	_ =	sdelay $0x1  }
0x99: {  	s4 =	simm.s32 $_scs_section_size  }
0x9a: {  	s5 =	simm.s32 $_size__tile_overlayer_lowered;
	s6 =	simm.s32 $_tile_overlayer_lowered  }
0x9b: {  	s22 =	simm.s32 $0x1BFF;
	s21 =	sshll.u32 s6, $0x1;
	s3 =	sadd.s32 s4, s19  }
0x9c: {  	s7 =	simm.s32 $0x0;
	s20 =	sshll.u32 s5, $0x1;
	s5 =	sadd.s32 s21, s3  }
0x9d: {  	[timem:s7], [sflag:s22] =	dma.local [hbm:s5], s20  }
0x9e: {  	_ =	swait.ge [sflag:s22], s20  }
0x9f: {  	s4 =	ssub.s32 $0x0, s20;
	[sflag:s22] =	ssyncset.done $0x0  }
0xa0: {  	[sflag:s22] =	ssyncadd.s32 s4;
	_ =	sdelay $0x1  }
0xa1: {  	s23 =	simm.s32 $0x1B8B  }
0xa2: {  	_ =	swait.ge [sflag:s23], $0x1  }
0xa3: {  	[sflag:s23] =	ssyncset.done $0x0  }
0xa4: {  	s25 =	simm.s32 $0x1B8E;
	s24 =	sld [smem:$0x3FFE];
	[sflag:s23] =	ssyncadd.s32 $0xFFFFFFFF  }
0xa5: {  	s26 =	simm.s32 $execute0_lowered;
	[smem:$0x3FD2] =	sst s25  }
0xa6: {  	s5 =	sshll.u32 s26, $0x1;
	_ =	strace $0x80000046;
	[dreg:$0x1] =	wrdreg $0xFFFFFFFF  }
0xa7: {  	s28 =	simm.s32 $_size_execute0_lowered;
	s3 =	sadd.s32 s3, s5;
	[dreg:$0x0] =	wrdreg $0x0  }
0xa8: {  	s5 =	sshll.u32 s28, $0x1;
	[dreg:$0x2] =	wrdreg s3  }
0xa9: {  	[dreg:$0x3] =	wrdreg s5  }
0xaa: {  	[dreg:$0x4] =	wrdreg $0xC0  }
0xab: {  	_ =	task [dreg:s7], $0x5FFFF  }
0xac: {  	[dreg:$0x1] =	wrdreg $0xFFFFFFFF  }
0xad: {  	[dreg:$0x0] =	wrdreg $0x60  }
0xae: {  	[dreg:$0x2] =	wrdreg s24  }
0xaf: {  	[dreg:$0x3] =	wrdreg s2  }
0xb0: {  	[dreg:$0x4] =	wrdreg $0x9  }
0xb1: {  	_ =	task.clear_ibuf [dreg:s7], $0x5FFFF;
	_ =	strace $0x90000046  }
0xb2: {  	s29 =	simm.s32 $0x9;
	_ =	strace $0x80000048  }
0xb3: {  	_ =	swait.ge [sflag:s29], $0x1  }
0xb4: {  	[sflag:s29] =	ssyncadd.s32 $0xFFFFFFFF  }
0xb5: {  	_ =	strace $0x90000048  }
0xb6: {  	_ =	sfence  }
0xb7: {  	s30 =	sld [smem:$0x0];
	_ =	sdelay $0x2  }
0xb8: {  	s31 =	sshll.u32 s1, $0xD;
	s1 =	sshrl.u32 s1, $0x2  }
0xb9: {  	s3 =	sand.u32 $0x4000, s31;
	s1 =	sadd.s32 s1, s30  }
0xba: {  	s0 =	sor.u32 s3, s0;
	s1 =	sshll.u32 s1, $0x11  }
0xbb: {  	s0 =	sor.u32 s1, s0  }
0xbc: {  	s0 =	sadd.s32 $0x8F2B, s0  }
0xbd: {  	[sflag:s0] =	ssyncadd.remote.s32 $0x1  }
0xbe: {  	_ =	sfence.sel $0xFFFF  }
0xbf: {  	[dreg:$0x0] =	wrdreg $0xFFFFFFFF;
	(pc) =	sbr.abs _section_cstart, $3  }
0xc0: {  	[dreg:$0x1] =	wrdreg $0xFFFFFFFF  }
0xc1: {  	_ =	task.clear_ibuf [dreg:s7], $0x2FFFF;
	_ =	strace $0x9FFFFFFF  }
0xc2: {  	(tm) =	ssettm $0x7FFFFFFF  }
0xc3: {  	_ =	shalt  }
tec
execute0_lowered:
.L_overlay_start_1:
0x0: {  	(tag) =	ssettag $0x1  }
0x1: {  	v0 =	vlaneseq.u32  }
0x2: {  	v1 =	vor.u32 $0x10, v0;
	v2 =	vor.u32 $0x20, v0  }
0x3: {  	v3 =	vor.u32 $0x30, v0;
	v4 =	vor.u32 $0x40, v0;
	v5 =	vor.u32 $0x50, v0  }
0x4: {  	v6 =	vor.u32 $0x60, v0;
	v7 =	vor.u32 $0x70, v0;
	v8 =	vor.u32 $0x80, v0  }
0x5: {  	v9 =	vor.u32 $0x90, v0;
	v10 =	vor.u32 $0xA0, v0;
	v11 =	vor.u32 $0xB0, v0  }
0x6: {  	s1 =	srdreg.scid;
	s6 =	rddreg [dreg:$0x0];
	v12 =	vor.u32 $0xC0, v0;
	v13 =	vor.u32 $0xD0, v0;
	v14 =	vor.u32 $0xE0, v0  }
0x7: {  	s0 =	stileid.u32;
	s2 =	rddreg [dreg:$0x1];
	v15 =	vor.u32 $0xF0, v0;
	v16 =	vor.u32 $0x100, v0;
	v17 =	vor.u32 $0x110, v0  }
0x8: {  	s4 =	simm.s32 $0x0;
	s10 =	simm.s32 $0x5;
	s11 =	simm.s32 $0x9A0;
	v18 =	vor.u32 $0x120, v0;
	v19 =	vor.u32 $0x130, v0;
	v20 =	vor.u32 $0x140, v0  }
0x9: {  	s12 =	simm.s32 $0x1350;
	s13 =	simm.s32 $0x10;
	s14 =	simm.s32 $0xFA50;
	v21 =	vor.u32 $0x150, v0;
	v22 =	vor.u32 $0x160, v0;
	v23 =	vor.u32 $0x170, v0  }
0xa: {  	s15 =	simm.s32 $0x12A50;
	s5 =	sand.u32 $0x1, s1;
	s30 =	sshll.u32 s0, $0x1;
	v24 =	vor.u32 $0x180, v0;
	v25 =	vor.u32 $0x190, v0;
	v26 =	vor.u32 $0x1A0, v0  }
0xb: {  	s16 =	simm.s32 $0x1;
	s17 =	simm.s32 $0x2;
	v27 =	vor.u32 $0x1B0, v0;
	v28 =	vor.u32 $0x1C0, v0;
	v29 =	vor.u32 $0x1D0, v0;
	s1 =	sor.u32 s5, s30  }
0xc: {  	s18 =	simm.s32 $0x3;
	s19 =	simm.s32 $0x4;
	v30 =	vor.u32 $0x1E0, v0;
	v31 =	vor.u32 $0x1F0, v0;
	v32 =	vor.u32 $0x200, v0;
	s3 =	smul.u32 $0x9A0, s1  }
.Ltmp0:
0xd: {  	s20 =	simm.s32 $0x0;
	v33 =	vor.u32 $0x210, v0;
	v34 =	vor.u32 $0x220, v0;
	v35 =	vor.u32 $0x230, v0;
	s31 =	ssub.s32 $0x2, s5;
	(pc) =	sbr.rel .LBB2_1-.Ltmp0, $4  }
0xe: {  	[smem:$0x7FF] =	sst s4;
	v36 =	vor.u32 $0x240, v0;
	v37 =	vor.u32 $0x250, v0;
	v38 =	vor.u32 $0x260, v0;
	s5 =	sadd.s32 $0x7600, s6;
	s9 =	sshrl.u32 s31, $0x1  }
0xf: {  	v39 =	vor.u32 $0x270, v0;
	v40 =	vor.u32 $0x280, v0;
	v41 =	vor.u32 $0x290, v0;
	s1 =	rddreg [dreg:$0x2];
	s9 =	ssub.s32 s31, s9;
	s7 =	sshrl.u32 s3, $0x3  }
0x10: {  	v42 =	vor.u32 $0x2A0, v0;
	v43 =	vor.u32 $0x2B0, v0;
	v44 =	vor.u32 $0x2C0, v0;
	_ =	strace $0x80000047;
	s9 =	smax.u32 s9, $0x1;
	s8 =	sadd.s32 s7, s6  }
0x11: {  	v45 =	vor.u32 $0x2D0, v0;
	v46 =	vor.u32 $0x2E0, v0;
	v47 =	vor.u32 $0x2F0, v0;
	s6 =	sadd.s32 $0x800, s6;
	s7 =	sadd.s32 $0x4E00, s8;
	s8 =	sadd.s32 $0x2600, s8  }
.LBB2_8:
0x12: {  	s20 =	sadd.s32 $0x1, s20  }
0x13: {  	_ =	swait.ge [sflag:s18], $0x3000;
	p0 =	sne.s32 s20, s9  }
.Ltmp1:
0x14: {  	[sflag:s18] =	ssyncset.done $0x0;
	(pc) =	sbr.rel @!p0 .LBB2_9-.Ltmp1, $4  }
0x15: {  	[sflag:s18] =	ssyncadd.s32 $0xFFFFD000  }
0x16: {  	_ =	swait.ge [sflag:s19], $0x3000  }
0x17: {  	[sflag:s19] =	ssyncset.done $0x0  }
0x18: {  	[sflag:s19] =	ssyncadd.s32 $0xFFFFD000  }
.LBB2_1:
0x19: {  	[tilespmem:s4], [sflag:$0x5] =	stream.linear.gather [hbm4b:s7+s4], $0x9A0, $0x38;
	[tilespmem:$0x15A50] =	vst v63  }
0x1a: {  	_ =	swait.ge [sflag:s10], $0x9A0  }
0x1b: {  	[sflag:s10] =	ssyncset.done $0x0  }
0x1c: {  	[sflag:s10] =	ssyncadd.s32 $0xFFFFF660  }
0x1d: {  	[tilespmem:s11], [sflag:$0x5] =	stream.linear.gather [hbm4b:s8+s4], $0x9A0, $0x38;
	[tilespmem:$0x15A50] =	vst v63  }
0x1e: {  	_ =	swait.ge [sflag:s10], $0x9A0  }
0x1f: {  	[sflag:s10] =	ssyncset.done $0x0  }
0x20: {  	[sflag:s10] =	ssyncadd.s32 $0xFFFFF660  }
0x21: {  	[tilespmem:s12], [sflag:$0x5] =	stream.linear.gather [hbm4b:s6+s4], $0xE700, $0x38;
	[tilespmem:$0x15A50] =	vst v63  }
0x22: {  	_ =	swait.ge [sflag:s10], $0xE700  }
0x23: {  	[sflag:s10] =	ssyncset.done $0x0  }
0x24: {  	[sflag:s10] =	ssyncadd.s32 $0xFFFF1900  }
0x25: {  	[tilespmem:s14], [sflag:$0x1] =	stream.indirect.gather [hbm4b:s5+s13], $0x300, s4, s13, $0xb8;
	[tilespmem:$0x15A50] =	vst v63  }
0x26: {  	s21 =	simm.s32 $0x0  }
0x27: {  	[tilespmem:s15], [sflag:$0x2] =	stream.indirect.gather [hbm4b:s5+s13], $0x300, s13, s13, $0xb8;
	[tilespmem:$0x15A50] =	vst v63  }
.LBB2_2:
0x28: {  	_ =	swait.ge [sflag:s16], $0x3000  }
0x29: {  	[sflag:s16] =	ssyncset.done $0x0  }
0x2a: {  	s22 =	sshll.u32 s21, $0x5;
	[sflag:s16] =	ssyncadd.s32 $0xFFFFD000  }
0x2b: {  	v48 =	vld [tilespmem:s22+$0x9A0];
	_ =	sdelay $0x2  }
0x2c: {  	s23 =	simm.s32 $0x0  }
0x2d: {  	v49 =	vmov s23  }
0x2e: {  	v49 =	vperm.xlane v48, v49;
	_ =	sdelay $0x1  }
0x2f: {  	v50 =	vadd.s32 v1, v49  }
0x30: {  	v51 =	vadd.s32 v2, v49  }
0x31: {  	v52 =	vadd.s32 v3, v49  }
0x32: {  	v53 =	vadd.s32 v4, v49  }
0x33: {  	v54 =	vadd.s32 v5, v49  }
0x34: {  	v55 =	vadd.s32 v0, v49;
	v50 =	vld.idx.msk [tilespmem:v50+s12+$0x0], $0xffff  }
0x35: {  	v56 =	vadd.s32 v7, v49;
	v51 =	vld.idx.msk [tilespmem:v51+s12+$0x0], $0xffff  }
0x36: {  	v57 =	vadd.s32 v6, v49;
	v52 =	vld.idx.msk [tilespmem:v52+s12+$0x0], $0xffff  }
0x37: {  	v53 =	vld.idx.msk [tilespmem:v53+s12+$0x0], $0xffff  }
0x38: {  	v54 =	vld.idx.msk [tilespmem:v54+s12+$0x0], $0xffff  }
0x39: {  	v55 =	vld.idx.msk [tilespmem:v55+s12+$0x0], $0xffff  }
0x3a: {  	v56 =	vld.idx.msk [tilespmem:v56+s12+$0x0], $0xffff  }
0x3b: {  	s23 =	simm.s32 $0x0;
	v57 =	vld.idx.msk [tilespmem:v57+s12+$0x0], $0xffff  }
0x3c: {  	[tilespmem:s23+$0xFA60] =	vst.add.f32.msk $0xffff, v50  }
0x3d: {  	[tilespmem:s23+$0xFAA0] =	vst.add.f32.msk $0xffff, v54  }
0x3e: {  	[tilespmem:s23+$0xFA50] =	vst.add.f32.msk $0xffff, v55  }
0x3f: {  	v59 =	vadd.s32 v8, v49;
	[tilespmem:s23+$0xFA90] =	vst.add.f32.msk $0xffff, v53  }
0x40: {  	v60 =	vadd.s32 v9, v49;
	[tilespmem:s23+$0xFA80] =	vst.add.f32.msk $0xffff, v52  }
0x41: {  	v61 =	vadd.s32 v10, v49;
	[tilespmem:s23+$0xFA70] =	vst.add.f32.msk $0xffff, v51  }
0x42: {  	v62 =	vadd.s32 v12, v49;
	[tilespmem:s23+$0xFAC0] =	vst.add.f32.msk $0xffff, v56  }
0x43: {  	v63 =	vadd.s32 v13, v49;
	[tilespmem:s23+$0xFAB0] =	vst.add.f32.msk $0xffff, v57  }
0x44: {  	v51 =	vadd.s32 v11, v49;
	v50 =	vld.idx.msk [tilespmem:v59+s12+$0x0], $0xffff  }
0x45: {  	v52 =	vld.idx.msk [tilespmem:v60+s12+$0x0], $0xffff;
	v60 =	vadd.s32 v14, v49  }
0x46: {  	v53 =	vld.idx.msk [tilespmem:v61+s12+$0x0], $0xffff;
	v61 =	vadd.s32 v15, v49  }
0x47: {  	v54 =	vld.idx.msk [tilespmem:v62+s12+$0x0], $0xffff  }
0x48: {  	v55 =	vld.idx.msk [tilespmem:v63+s12+$0x0], $0xffff  }
0x49: {  	v51 =	vld.idx.msk [tilespmem:v51+s12+$0x0], $0xffff  }
0x4a: {  	v56 =	vld.idx.msk [tilespmem:v60+s12+$0x0], $0xffff  }
0x4b: {  	v57 =	vld.idx.msk [tilespmem:v61+s12+$0x0], $0xffff  }
0x4c: {  	[tilespmem:s23+$0xFAE0] =	vst.add.f32.msk $0xffff, v52  }
0x4d: {  	[tilespmem:s23+$0xFAD0] =	vst.add.f32.msk $0xffff, v50  }
0x4e: {  	[tilespmem:s23+$0xFB10] =	vst.add.f32.msk $0xffff, v54  }
0x4f: {  	v62 =	vadd.s32 v20, v49;
	[tilespmem:s23+$0xFB20] =	vst.add.f32.msk $0xffff, v55  }
0x50: {  	v63 =	vadd.s32 v21, v49;
	[tilespmem:s23+$0xFAF0] =	vst.add.f32.msk $0xffff, v53  }
0x51: {  	v52 =	vadd.s32 v22, v49;
	[tilespmem:s23+$0xFB00] =	vst.add.f32.msk $0xffff, v51  }
0x52: {  	v54 =	vadd.s32 v19, v49;
	[tilespmem:s23+$0xFB30] =	vst.add.f32.msk $0xffff, v56  }
0x53: {  	v60 =	vadd.s32 v17, v49;
	[tilespmem:s23+$0xFB40] =	vst.add.f32.msk $0xffff, v57  }
0x54: {  	v61 =	vadd.s32 v23, v49;
	v50 =	vld.idx.msk [tilespmem:v62+s12+$0x0], $0xffff  }
0x55: {  	v62 =	vadd.s32 v18, v49;
	v51 =	vld.idx.msk [tilespmem:v63+s12+$0x0], $0xffff  }
0x56: {  	v63 =	vadd.s32 v16, v49;
	v52 =	vld.idx.msk [tilespmem:v52+s12+$0x0], $0xffff  }
0x57: {  	v54 =	vld.idx.msk [tilespmem:v54+s12+$0x0], $0xffff  }
0x58: {  	v53 =	vld.idx.msk [tilespmem:v60+s12+$0x0], $0xffff  }
0x59: {  	v55 =	vld.idx.msk [tilespmem:v61+s12+$0x0], $0xffff  }
0x5a: {  	v56 =	vld.idx.msk [tilespmem:v62+s12+$0x0], $0xffff  }
0x5b: {  	v57 =	vld.idx.msk [tilespmem:v63+s12+$0x0], $0xffff  }
0x5c: {  	[tilespmem:s23+$0xFB90] =	vst.add.f32.msk $0xffff, v50  }
0x5d: {  	[tilespmem:s23+$0xFB80] =	vst.add.f32.msk $0xffff, v54  }
0x5e: {  	[tilespmem:s23+$0xFBB0] =	vst.add.f32.msk $0xffff, v52  }
0x5f: {  	v60 =	vadd.s32 v29, v49;
	[tilespmem:s23+$0xFBC0] =	vst.add.f32.msk $0xffff, v55  }
0x60: {  	v61 =	vadd.s32 v25, v49;
	[tilespmem:s23+$0xFB60] =	vst.add.f32.msk $0xffff, v53  }
0x61: {  	v54 =	vadd.s32 v30, v49;
	[tilespmem:s23+$0xFBA0] =	vst.add.f32.msk $0xffff, v51  }
0x62: {  	v53 =	vadd.s32 v26, v49;
	[tilespmem:s23+$0xFB70] =	vst.add.f32.msk $0xffff, v56  }
0x63: {  	v62 =	vadd.s32 v31, v49;
	[tilespmem:s23+$0xFB50] =	vst.add.f32.msk $0xffff, v57  }
0x64: {  	v63 =	vadd.s32 v27, v49;
	v50 =	vld.idx.msk [tilespmem:v60+s12+$0x0], $0xffff  }
0x65: {  	v60 =	vadd.s32 v24, v49;
	v52 =	vld.idx.msk [tilespmem:v61+s12+$0x0], $0xffff  }
0x66: {  	v61 =	vadd.s32 v28, v49;
	v54 =	vld.idx.msk [tilespmem:v54+s12+$0x0], $0xffff  }
0x67: {  	v53 =	vld.idx.msk [tilespmem:v53+s12+$0x0], $0xffff  }
0x68: {  	v51 =	vld.idx.msk [tilespmem:v62+s12+$0x0], $0xffff  }
0x69: {  	v55 =	vld.idx.msk [tilespmem:v63+s12+$0x0], $0xffff  }
0x6a: {  	v56 =	vld.idx.msk [tilespmem:v60+s12+$0x0], $0xffff  }
0x6b: {  	v57 =	vld.idx.msk [tilespmem:v61+s12+$0x0], $0xffff  }
0x6c: {  	[tilespmem:s23+$0xFBE0] =	vst.add.f32.msk $0xffff, v52  }
0x6d: {  	[tilespmem:s23+$0xFC20] =	vst.add.f32.msk $0xffff, v50  }
0x6e: {  	[tilespmem:s23+$0xFC40] =	vst.add.f32.msk $0xffff, v51  }
0x6f: {  	v62 =	vadd.s32 v38, v49;
	[tilespmem:s23+$0xFC30] =	vst.add.f32.msk $0xffff, v54  }
0x70: {  	v63 =	vadd.s32 v39, v49;
	[tilespmem:s23+$0xFBF0] =	vst.add.f32.msk $0xffff, v53  }
0x71: {  	v52 =	vadd.s32 v35, v49;
	[tilespmem:s23+$0xFC00] =	vst.add.f32.msk $0xffff, v55  }
0x72: {  	v53 =	vadd.s32 v34, v49;
	[tilespmem:s23+$0xFC10] =	vst.add.f32.msk $0xffff, v57  }
0x73: {  	v60 =	vadd.s32 v37, v49;
	[tilespmem:s23+$0xFBD0] =	vst.add.f32.msk $0xffff, v56  }
0x74: {  	v61 =	vadd.s32 v32, v49;
	v50 =	vld.idx.msk [tilespmem:v62+s12+$0x0], $0xffff  }
0x75: {  	v62 =	vadd.s32 v36, v49;
	v51 =	vld.idx.msk [tilespmem:v63+s12+$0x0], $0xffff  }
0x76: {  	v63 =	vadd.s32 v33, v49;
	v52 =	vld.idx.msk [tilespmem:v52+s12+$0x0], $0xffff  }
0x77: {  	v53 =	vld.idx.msk [tilespmem:v53+s12+$0x0], $0xffff  }
0x78: {  	v54 =	vld.idx.msk [tilespmem:v60+s12+$0x0], $0xffff  }
0x79: {  	v55 =	vld.idx.msk [tilespmem:v61+s12+$0x0], $0xffff  }
0x7a: {  	v56 =	vld.idx.msk [tilespmem:v62+s12+$0x0], $0xffff  }
0x7b: {  	v57 =	vld.idx.msk [tilespmem:v63+s12+$0x0], $0xffff  }
0x7c: {  	[tilespmem:s23+$0xFCB0] =	vst.add.f32.msk $0xffff, v50  }
0x7d: {  	[tilespmem:s23+$0xFC70] =	vst.add.f32.msk $0xffff, v53  }
0x7e: {  	[tilespmem:s23+$0xFCA0] =	vst.add.f32.msk $0xffff, v54  }
0x7f: {  	[tilespmem:s23+$0xFC80] =	vst.add.f32.msk $0xffff, v52;
	v50 =	vadd.s32 v47, v49  }
0x80: {  	[tilespmem:s23+$0xFC50] =	vst.add.f32.msk $0xffff, v55;
	v53 =	vadd.s32 v45, v49  }
0x81: {  	v60 =	vadd.s32 v42, v49;
	[tilespmem:s23+$0xFCC0] =	vst.add.f32.msk $0xffff, v51  }
0x82: {  	v61 =	vadd.s32 v46, v49;
	[tilespmem:s23+$0xFC60] =	vst.add.f32.msk $0xffff, v57  }
0x83: {  	v62 =	vadd.s32 v41, v49;
	[tilespmem:s23+$0xFC90] =	vst.add.f32.msk $0xffff, v56  }
0x84: {  	v63 =	vadd.s32 v44, v49;
	v52 =	vld.idx.msk [tilespmem:v50+s12+$0x0], $0xffff  }
0x85: {  	v58 =	vadd.s32 v40, v49;
	v54 =	vld.idx.msk [tilespmem:v53+s12+$0x0], $0xffff  }
0x86: {  	v49 =	vadd.s32 v43, v49;
	v50 =	vld.idx.msk [tilespmem:v60+s12+$0x0], $0xffff  }
0x87: {  	v53 =	vld.idx.msk [tilespmem:v61+s12+$0x0], $0xffff  }
0x88: {  	v55 =	vld.idx.msk [tilespmem:v62+s12+$0x0], $0xffff  }
0x89: {  	v51 =	vld.idx.msk [tilespmem:v63+s12+$0x0], $0xffff  }
0x8a: {  	s24 =	simm.s32 $0xC00;
	s25 =	simm.s32 $0x1;
	v56 =	vld.idx.msk [tilespmem:v58+s12+$0x0], $0xffff  }
.LBB2_3:
0x8b: {  	v57 =	vmov s25;
	p0 =	sne.s32 s24, $0xB400;
	v58 =	vld.idx.msk [tilespmem:v49+s12+$0x0], $0xffff;
	s26 =	smov.u32 s24;
	s24 =	sadd.s32 $0xC00, s24  }
0x8c: {  	v49 =	vperm.xlane v48, v57;
	[tilespmem:s23+$0xFD40] =	vst.add.f32.msk $0xffff, v52  }
0x8d: {  	[tilespmem:s23+$0xFD20] =	vst.add.f32.msk $0xffff, v54  }
0x8e: {  	v52 =	vadd.s32 v0, v49;
	[tilespmem:s23+$0xFCE0] =	vst.add.f32.msk $0xffff, v55  }
0x8f: {  	v54 =	vadd.s32 v1, v49;
	[tilespmem:s23+$0xFD30] =	vst.add.f32.msk $0xffff, v53  }
0x90: {  	v53 =	vadd.s32 v2, v49;
	[tilespmem:s23+$0xFCD0] =	vst.add.f32.msk $0xffff, v56  }
0x91: {  	v55 =	vadd.s32 v3, v49;
	[tilespmem:s23+$0xFD10] =	vst.add.f32.msk $0xffff, v51  }
0x92: {  	v51 =	vadd.s32 v4, v49;
	[tilespmem:s23+$0xFCF0] =	vst.add.f32.msk $0xffff, v50  }
0x93: {  	v50 =	vadd.s32 v5, v49;
	[tilespmem:s23+$0xFD00] =	vst.add.f32.msk $0xffff, v58  }
0x94: {  	v54 =	vld.idx.msk [tilespmem:v54+s12+$0x0], $0xffff  }
0x95: {  	v53 =	vld.idx.msk [tilespmem:v53+s12+$0x0], $0xffff  }
0x96: {  	v56 =	vadd.s32 v7, v49;
	v55 =	vld.idx.msk [tilespmem:v55+s12+$0x0], $0xffff  }
0x97: {  	v57 =	vadd.s32 v6, v49;
	v51 =	vld.idx.msk [tilespmem:v51+s12+$0x0], $0xffff  }
0x98: {  	v50 =	vld.idx.msk [tilespmem:v50+s12+$0x0], $0xffff  }
0x99: {  	v52 =	vld.idx.msk [tilespmem:v52+s12+$0x0], $0xffff;
	_ =	sdelay $0x1  }
0x9a: {  	v56 =	vld.idx.msk [tilespmem:v56+s12+$0x0], $0xffff  }
0x9b: {  	s23 =	sshra.s32 s26, $0x2;
	v57 =	vld.idx.msk [tilespmem:v57+s12+$0x0], $0xffff  }
0x9c: {  	[tilespmem:s23+$0xFA60] =	vst.add.f32.msk $0xffff, v54  }
0x9d: {  	[tilespmem:s23+$0xFAA0] =	vst.add.f32.msk $0xffff, v50;
	v50 =	vadd.s32 v10, v49  }
0x9e: {  	[tilespmem:s23+$0xFA50] =	vst.add.f32.msk $0xffff, v52  }
0x9f: {  	[tilespmem:s23+$0xFA90] =	vst.add.f32.msk $0xffff, v51;
	v51 =	vadd.s32 v8, v49  }
0xa0: {  	v52 =	vadd.s32 v9, v49;
	[tilespmem:s23+$0xFA80] =	vst.add.f32.msk $0xffff, v55  }
0xa1: {  	[tilespmem:s23+$0xFA70] =	vst.add.f32.msk $0xffff, v53  }
0xa2: {  	v53 =	vadd.s32 v11, v49;
	[tilespmem:s23+$0xFAC0] =	vst.add.f32.msk $0xffff, v56  }
0xa3: {  	v54 =	vadd.s32 v12, v49;
	[tilespmem:s23+$0xFAB0] =	vst.add.f32.msk $0xffff, v57  }
0xa4: {  	v55 =	vadd.s32 v13, v49;
	v51 =	vld.idx.msk [tilespmem:v51+s12+$0x0], $0xffff  }
0xa5: {  	v56 =	vadd.s32 v14, v49;
	v52 =	vld.idx.msk [tilespmem:v52+s12+$0x0], $0xffff  }
0xa6: {  	v57 =	vadd.s32 v15, v49;
	v50 =	vld.idx.msk [tilespmem:v50+s12+$0x0], $0xffff  }
0xa7: {  	v53 =	vld.idx.msk [tilespmem:v53+s12+$0x0], $0xffff  }
0xa8: {  	v54 =	vld.idx.msk [tilespmem:v54+s12+$0x0], $0xffff  }
0xa9: {  	v55 =	vld.idx.msk [tilespmem:v55+s12+$0x0], $0xffff  }
0xaa: {  	v56 =	vld.idx.msk [tilespmem:v56+s12+$0x0], $0xffff  }
0xab: {  	v57 =	vld.idx.msk [tilespmem:v57+s12+$0x0], $0xffff  }
0xac: {  	[tilespmem:s23+$0xFAE0] =	vst.add.f32.msk $0xffff, v52  }
0xad: {  	[tilespmem:s23+$0xFB00] =	vst.add.f32.msk $0xffff, v53  }
0xae: {  	[tilespmem:s23+$0xFAD0] =	vst.add.f32.msk $0xffff, v51  }
0xaf: {  	v51 =	vadd.s32 v20, v49;
	[tilespmem:s23+$0xFB10] =	vst.add.f32.msk $0xffff, v54  }
0xb0: {  	v52 =	vadd.s32 v21, v49;
	[tilespmem:s23+$0xFB20] =	vst.add.f32.msk $0xffff, v55  }
0xb1: {  	v53 =	vadd.s32 v22, v49;
	[tilespmem:s23+$0xFB30] =	vst.add.f32.msk $0xffff, v56  }
0xb2: {  	v54 =	vadd.s32 v19, v49;
	[tilespmem:s23+$0xFB40] =	vst.add.f32.msk $0xffff, v57  }
0xb3: {  	[tilespmem:s23+$0xFAF0] =	vst.add.f32.msk $0xffff, v50;
	v50 =	vadd.s32 v17, v49  }
0xb4: {  	v55 =	vadd.s32 v23, v49;
	v51 =	vld.idx.msk [tilespmem:v51+s12+$0x0], $0xffff  }
0xb5: {  	v56 =	vadd.s32 v18, v49;
	v52 =	vld.idx.msk [tilespmem:v52+s12+$0x0], $0xffff  }
0xb6: {  	v57 =	vadd.s32 v16, v49;
	v53 =	vld.idx.msk [tilespmem:v53+s12+$0x0], $0xffff  }
0xb7: {  	v54 =	vld.idx.msk [tilespmem:v54+s12+$0x0], $0xffff  }
0xb8: {  	v50 =	vld.idx.msk [tilespmem:v50+s12+$0x0], $0xffff  }
0xb9: {  	v55 =	vld.idx.msk [tilespmem:v55+s12+$0x0], $0xffff  }
0xba: {  	v56 =	vld.idx.msk [tilespmem:v56+s12+$0x0], $0xffff  }
0xbb: {  	v57 =	vld.idx.msk [tilespmem:v57+s12+$0x0], $0xffff  }
0xbc: {  	[tilespmem:s23+$0xFB90] =	vst.add.f32.msk $0xffff, v51  }
0xbd: {  	[tilespmem:s23+$0xFB80] =	vst.add.f32.msk $0xffff, v54  }
0xbe: {  	[tilespmem:s23+$0xFBB0] =	vst.add.f32.msk $0xffff, v53  }
0xbf: {  	v51 =	vadd.s32 v29, v49;
	[tilespmem:s23+$0xFBC0] =	vst.add.f32.msk $0xffff, v55  }
0xc0: {  	v53 =	vadd.s32 v25, v49;
	[tilespmem:s23+$0xFB70] =	vst.add.f32.msk $0xffff, v56  }
0xc1: {  	v54 =	vadd.s32 v30, v49;
	[tilespmem:s23+$0xFB50] =	vst.add.f32.msk $0xffff, v57  }
0xc2: {  	[tilespmem:s23+$0xFB60] =	vst.add.f32.msk $0xffff, v50;
	v50 =	vadd.s32 v26, v49  }
0xc3: {  	[tilespmem:s23+$0xFBA0] =	vst.add.f32.msk $0xffff, v52;
	v52 =	vadd.s32 v31, v49  }
0xc4: {  	v55 =	vadd.s32 v27, v49;
	v51 =	vld.idx.msk [tilespmem:v51+s12+$0x0], $0xffff  }
0xc5: {  	v56 =	vadd.s32 v24, v49;
	v53 =	vld.idx.msk [tilespmem:v53+s12+$0x0], $0xffff  }
0xc6: {  	v57 =	vadd.s32 v28, v49;
	v54 =	vld.idx.msk [tilespmem:v54+s12+$0x0], $0xffff  }
0xc7: {  	v50 =	vld.idx.msk [tilespmem:v50+s12+$0x0], $0xffff  }
0xc8: {  	v52 =	vld.idx.msk [tilespmem:v52+s12+$0x0], $0xffff  }
0xc9: {  	v55 =	vld.idx.msk [tilespmem:v55+s12+$0x0], $0xffff  }
0xca: {  	v56 =	vld.idx.msk [tilespmem:v56+s12+$0x0], $0xffff  }
0xcb: {  	v57 =	vld.idx.msk [tilespmem:v57+s12+$0x0], $0xffff  }
0xcc: {  	[tilespmem:s23+$0xFBE0] =	vst.add.f32.msk $0xffff, v53  }
0xcd: {  	[tilespmem:s23+$0xFC20] =	vst.add.f32.msk $0xffff, v51  }
0xce: {  	[tilespmem:s23+$0xFC40] =	vst.add.f32.msk $0xffff, v52  }
0xcf: {  	v51 =	vadd.s32 v38, v49;
	[tilespmem:s23+$0xFC30] =	vst.add.f32.msk $0xffff, v54  }
0xd0: {  	[tilespmem:s23+$0xFBF0] =	vst.add.f32.msk $0xffff, v50;
	v50 =	vadd.s32 v39, v49  }
0xd1: {  	v52 =	vadd.s32 v35, v49;
	[tilespmem:s23+$0xFC10] =	vst.add.f32.msk $0xffff, v57  }
0xd2: {  	v53 =	vadd.s32 v34, v49;
	[tilespmem:s23+$0xFC00] =	vst.add.f32.msk $0xffff, v55  }
0xd3: {  	v54 =	vadd.s32 v37, v49;
	[tilespmem:s23+$0xFBD0] =	vst.add.f32.msk $0xffff, v56  }
0xd4: {  	v55 =	vadd.s32 v32, v49;
	v51 =	vld.idx.msk [tilespmem:v51+s12+$0x0], $0xffff  }
0xd5: {  	v56 =	vadd.s32 v36, v49;
	v50 =	vld.idx.msk [tilespmem:v50+s12+$0x0], $0xffff  }
0xd6: {  	v57 =	vadd.s32 v33, v49;
	v52 =	vld.idx.msk [tilespmem:v52+s12+$0x0], $0xffff  }
0xd7: {  	v53 =	vld.idx.msk [tilespmem:v53+s12+$0x0], $0xffff  }
0xd8: {  	v54 =	vld.idx.msk [tilespmem:v54+s12+$0x0], $0xffff  }
0xd9: {  	v55 =	vld.idx.msk [tilespmem:v55+s12+$0x0], $0xffff  }
0xda: {  	v56 =	vld.idx.msk [tilespmem:v56+s12+$0x0], $0xffff  }
0xdb: {  	v57 =	vld.idx.msk [tilespmem:v57+s12+$0x0], $0xffff  }
0xdc: {  	[tilespmem:s23+$0xFCB0] =	vst.add.f32.msk $0xffff, v51  }
0xdd: {  	[tilespmem:s23+$0xFC70] =	vst.add.f32.msk $0xffff, v53  }
0xde: {  	[tilespmem:s23+$0xFCA0] =	vst.add.f32.msk $0xffff, v54  }
0xdf: {  	v51 =	vadd.s32 v47, v49;
	[tilespmem:s23+$0xFC80] =	vst.add.f32.msk $0xffff, v52  }
0xe0: {  	v53 =	vadd.s32 v45, v49;
	[tilespmem:s23+$0xFC50] =	vst.add.f32.msk $0xffff, v55  }
0xe1: {  	v55 =	vadd.s32 v42, v49;
	[tilespmem:s23+$0xFC60] =	vst.add.f32.msk $0xffff, v57  }
0xe2: {  	v57 =	vadd.s32 v46, v49;
	[tilespmem:s23+$0xFCC0] =	vst.add.f32.msk $0xffff, v50  }
0xe3: {  	[tilespmem:s23+$0xFC90] =	vst.add.f32.msk $0xffff, v56;
	v56 =	vadd.s32 v41, v49  }
0xe4: {  	v58 =	vadd.s32 v44, v49;
	v52 =	vld.idx.msk [tilespmem:v51+s12+$0x0], $0xffff  }
0xe5: {  	v59 =	vadd.s32 v40, v49;
	v54 =	vld.idx.msk [tilespmem:v53+s12+$0x0], $0xffff  }
.Ltmp2:
0xe6: {  	v49 =	vadd.s32 v43, v49;
	v50 =	vld.idx.msk [tilespmem:v55+s12+$0x0], $0xffff;
	(pc) =	sbr.rel @p0 .LBB2_3-.Ltmp2, $4  }
0xe7: {  	v53 =	vld.idx.msk [tilespmem:v57+s12+$0x0], $0xffff  }
0xe8: {  	v55 =	vld.idx.msk [tilespmem:v56+s12+$0x0], $0xffff  }
0xe9: {  	v51 =	vld.idx.msk [tilespmem:v58+s12+$0x0], $0xffff  }
0xea: {  	s25 =	sadd.s32 $0x1, s25;
	v56 =	vld.idx.msk [tilespmem:v59+s12+$0x0], $0xffff  }
0xeb: {  	_ =	sdelay $0x3  }
0xec: {  	v48 =	vld.idx.msk [tilespmem:v49+s12+$0x0], $0xffff  }
0xed: {  	[tilespmem:s23+$0xFD40] =	vst.add.f32.msk $0xffff, v52  }
0xee: {  	[tilespmem:s23+$0xFD20] =	vst.add.f32.msk $0xffff, v54  }
0xef: {  	[tilespmem:s23+$0xFCF0] =	vst.add.f32.msk $0xffff, v50  }
0xf0: {  	[tilespmem:s23+$0xFD30] =	vst.add.f32.msk $0xffff, v53  }
0xf1: {  	s24 =	sadd.s32 s3, s22;
	[tilespmem:s23+$0xFCE0] =	vst.add.f32.msk $0xffff, v55  }
0xf2: {  	s24 =	smul.u32 $0x60, s24;
	[tilespmem:s23+$0xFD10] =	vst.add.f32.msk $0xffff, v51  }
0xf3: {  	p0 =	seq.s32 s21, $0x4C;
	[tilespmem:s23+$0xFCD0] =	vst.add.f32.msk $0xffff, v56  }
0xf4: {  	s30 =	sadd.s32 s2, s24;
	[tilespmem:s23+$0xFD00] =	vst.add.f32.msk $0xffff, v48;
	s23 =	simm.s32 @!p0 $0x3  }
0xf5: {  	[hbm4b:s30+s4] =	stream.linear.scatter [tilespmem:s14], [sflag:$0x3], $0x3000, $0x38;
	[tilespmem:$0x15A50] =	vst v63  }
0xf6: {  	_ =	swait.ge @!p0 [sflag:s23], $0x3000  }
0xf7: {  	s24 =	sshll.u32 @!p0 s21, $0x5;
	[sflag:s23] =	ssyncset.done @!p0 $0x0  }
0xf8: {  	[sflag:s23] =	ssyncadd.s32 @!p0 $0xFFFFD000;
	s23 =	sand.u32 @!p0 $0x3FFFFFE0, s24  }
0xf9: {  	s25 =	simm.s32 @!p0 $0xFA50;
	s24 =	simm.s32 @!p0 $0x10;
	s23 =	sadd.s32 @!p0 $0x20, s23  }
0xfa: {  	[tilespmem:s25], [sflag:$0x1] =	stream.indirect.gather @!p0 [hbm4b:s5+s24], $0x300, s23, s24, $0xb8;
	[tilespmem:$0x15A50] =	vst v63  }
0xfb: {  	_ =	swait.ge [sflag:s17], $0x3000  }
0xfc: {  	[sflag:s17] =	ssyncset.done $0x0  }
0xfd: {  	[sflag:s17] =	ssyncadd.s32 $0xFFFFD000  }
0xfe: {  	v48 =	vld [tilespmem:s22+$0x9B0];
	_ =	sdelay $0x2  }
0xff: {  	s31 =	simm.s32 $0x0  }
0x100: {  	v57 =	vmov s31  }
0x101: {  	v49 =	vperm.xlane v48, v57;
	_ =	sdelay $0x1  }
0x102: {  	v58 =	vadd.s32 v1, v49  }
0x103: {  	v59 =	vadd.s32 v2, v49  }
0x104: {  	v52 =	vadd.s32 v3, v49  }
0x105: {  	v60 =	vadd.s32 v4, v49  }
0x106: {  	v61 =	vadd.s32 v5, v49  }
0x107: {  	v62 =	vadd.s32 v0, v49;
	v50 =	vld.idx.msk [tilespmem:v58+s12+$0x0], $0xffff  }
0x108: {  	v63 =	vadd.s32 v7, v49;
	v51 =	vld.idx.msk [tilespmem:v59+s12+$0x0], $0xffff  }
0x109: {  	v57 =	vadd.s32 v6, v49;
	v52 =	vld.idx.msk [tilespmem:v52+s12+$0x0], $0xffff  }
0x10a: {  	v53 =	vld.idx.msk [tilespmem:v60+s12+$0x0], $0xffff  }
0x10b: {  	v54 =	vld.idx.msk [tilespmem:v61+s12+$0x0], $0xffff  }
0x10c: {  	v55 =	vld.idx.msk [tilespmem:v62+s12+$0x0], $0xffff  }
0x10d: {  	v56 =	vld.idx.msk [tilespmem:v63+s12+$0x0], $0xffff  }
0x10e: {  	s23 =	simm.s32 $0x0;
	v57 =	vld.idx.msk [tilespmem:v57+s12+$0x0], $0xffff  }
0x10f: {  	[tilespmem:s23+$0x12A60] =	vst.add.f32.msk $0xffff, v50  }
0x110: {  	[tilespmem:s23+$0x12AA0] =	vst.add.f32.msk $0xffff, v54  }
0x111: {  	[tilespmem:s23+$0x12A50] =	vst.add.f32.msk $0xffff, v55  }
0x112: {  	v59 =	vadd.s32 v8, v49;
	[tilespmem:s23+$0x12A90] =	vst.add.f32.msk $0xffff, v53  }
0x113: {  	v60 =	vadd.s32 v9, v49;
	[tilespmem:s23+$0x12A80] =	vst.add.f32.msk $0xffff, v52  }
0x114: {  	v61 =	vadd.s32 v10, v49;
	[tilespmem:s23+$0x12A70] =	vst.add.f32.msk $0xffff, v51  }
0x115: {  	v62 =	vadd.s32 v12, v49;
	[tilespmem:s23+$0x12AC0] =	vst.add.f32.msk $0xffff, v56  }
0x116: {  	v63 =	vadd.s32 v13, v49;
	[tilespmem:s23+$0x12AB0] =	vst.add.f32.msk $0xffff, v57  }
0x117: {  	v51 =	vadd.s32 v11, v49;
	v50 =	vld.idx.msk [tilespmem:v59+s12+$0x0], $0xffff  }
0x118: {  	v52 =	vld.idx.msk [tilespmem:v60+s12+$0x0], $0xffff;
	v60 =	vadd.s32 v14, v49  }
0x119: {  	v53 =	vld.idx.msk [tilespmem:v61+s12+$0x0], $0xffff;
	v61 =	vadd.s32 v15, v49  }
0x11a: {  	v54 =	vld.idx.msk [tilespmem:v62+s12+$0x0], $0xffff  }
0x11b: {  	v55 =	vld.idx.msk [tilespmem:v63+s12+$0x0], $0xffff  }
0x11c: {  	v51 =	vld.idx.msk [tilespmem:v51+s12+$0x0], $0xffff  }
0x11d: {  	v56 =	vld.idx.msk [tilespmem:v60+s12+$0x0], $0xffff  }
0x11e: {  	v57 =	vld.idx.msk [tilespmem:v61+s12+$0x0], $0xffff  }
0x11f: {  	[tilespmem:s23+$0x12AE0] =	vst.add.f32.msk $0xffff, v52  }
0x120: {  	[tilespmem:s23+$0x12AD0] =	vst.add.f32.msk $0xffff, v50  }
0x121: {  	[tilespmem:s23+$0x12B10] =	vst.add.f32.msk $0xffff, v54  }
0x122: {  	v62 =	vadd.s32 v20, v49;
	[tilespmem:s23+$0x12B20] =	vst.add.f32.msk $0xffff, v55  }
0x123: {  	v63 =	vadd.s32 v21, v49;
	[tilespmem:s23+$0x12AF0] =	vst.add.f32.msk $0xffff, v53  }
0x124: {  	v52 =	vadd.s32 v22, v49;
	[tilespmem:s23+$0x12B00] =	vst.add.f32.msk $0xffff, v51  }
0x125: {  	v54 =	vadd.s32 v19, v49;
	[tilespmem:s23+$0x12B30] =	vst.add.f32.msk $0xffff, v56  }
0x126: {  	v60 =	vadd.s32 v17, v49;
	[tilespmem:s23+$0x12B40] =	vst.add.f32.msk $0xffff, v57  }
0x127: {  	v61 =	vadd.s32 v23, v49;
	v50 =	vld.idx.msk [tilespmem:v62+s12+$0x0], $0xffff  }
0x128: {  	v62 =	vadd.s32 v18, v49;
	v51 =	vld.idx.msk [tilespmem:v63+s12+$0x0], $0xffff  }
0x129: {  	v63 =	vadd.s32 v16, v49;
	v52 =	vld.idx.msk [tilespmem:v52+s12+$0x0], $0xffff  }
0x12a: {  	v54 =	vld.idx.msk [tilespmem:v54+s12+$0x0], $0xffff  }
0x12b: {  	v53 =	vld.idx.msk [tilespmem:v60+s12+$0x0], $0xffff  }
0x12c: {  	v55 =	vld.idx.msk [tilespmem:v61+s12+$0x0], $0xffff  }
0x12d: {  	v56 =	vld.idx.msk [tilespmem:v62+s12+$0x0], $0xffff  }
0x12e: {  	v57 =	vld.idx.msk [tilespmem:v63+s12+$0x0], $0xffff  }
0x12f: {  	[tilespmem:s23+$0x12B90] =	vst.add.f32.msk $0xffff, v50  }
0x130: {  	[tilespmem:s23+$0x12B80] =	vst.add.f32.msk $0xffff, v54  }
0x131: {  	[tilespmem:s23+$0x12BB0] =	vst.add.f32.msk $0xffff, v52  }
0x132: {  	v60 =	vadd.s32 v29, v49;
	[tilespmem:s23+$0x12BC0] =	vst.add.f32.msk $0xffff, v55  }
0x133: {  	v61 =	vadd.s32 v25, v49;
	[tilespmem:s23+$0x12B60] =	vst.add.f32.msk $0xffff, v53  }
0x134: {  	v54 =	vadd.s32 v30, v49;
	[tilespmem:s23+$0x12BA0] =	vst.add.f32.msk $0xffff, v51  }
0x135: {  	v53 =	vadd.s32 v26, v49;
	[tilespmem:s23+$0x12B70] =	vst.add.f32.msk $0xffff, v56  }
0x136: {  	v62 =	vadd.s32 v31, v49;
	[tilespmem:s23+$0x12B50] =	vst.add.f32.msk $0xffff, v57  }
0x137: {  	v63 =	vadd.s32 v27, v49;
	v50 =	vld.idx.msk [tilespmem:v60+s12+$0x0], $0xffff  }
0x138: {  	v60 =	vadd.s32 v24, v49;
	v52 =	vld.idx.msk [tilespmem:v61+s12+$0x0], $0xffff  }
0x139: {  	v61 =	vadd.s32 v28, v49;
	v54 =	vld.idx.msk [tilespmem:v54+s12+$0x0], $0xffff  }
0x13a: {  	v53 =	vld.idx.msk [tilespmem:v53+s12+$0x0], $0xffff  }
0x13b: {  	v51 =	vld.idx.msk [tilespmem:v62+s12+$0x0], $0xffff  }
0x13c: {  	v55 =	vld.idx.msk [tilespmem:v63+s12+$0x0], $0xffff  }
0x13d: {  	v56 =	vld.idx.msk [tilespmem:v60+s12+$0x0], $0xffff  }
0x13e: {  	v57 =	vld.idx.msk [tilespmem:v61+s12+$0x0], $0xffff  }
0x13f: {  	[tilespmem:s23+$0x12BE0] =	vst.add.f32.msk $0xffff, v52  }
0x140: {  	[tilespmem:s23+$0x12C20] =	vst.add.f32.msk $0xffff, v50  }
0x141: {  	[tilespmem:s23+$0x12C40] =	vst.add.f32.msk $0xffff, v51  }
0x142: {  	v62 =	vadd.s32 v38, v49;
	[tilespmem:s23+$0x12C30] =	vst.add.f32.msk $0xffff, v54  }
0x143: {  	v63 =	vadd.s32 v39, v49;
	[tilespmem:s23+$0x12BF0] =	vst.add.f32.msk $0xffff, v53  }
0x144: {  	v52 =	vadd.s32 v35, v49;
	[tilespmem:s23+$0x12C00] =	vst.add.f32.msk $0xffff, v55  }
0x145: {  	v53 =	vadd.s32 v34, v49;
	[tilespmem:s23+$0x12C10] =	vst.add.f32.msk $0xffff, v57  }
0x146: {  	v60 =	vadd.s32 v37, v49;
	[tilespmem:s23+$0x12BD0] =	vst.add.f32.msk $0xffff, v56  }
0x147: {  	v61 =	vadd.s32 v32, v49;
	v50 =	vld.idx.msk [tilespmem:v62+s12+$0x0], $0xffff  }
0x148: {  	v62 =	vadd.s32 v36, v49;
	v51 =	vld.idx.msk [tilespmem:v63+s12+$0x0], $0xffff  }
0x149: {  	v63 =	vadd.s32 v33, v49;
	v52 =	vld.idx.msk [tilespmem:v52+s12+$0x0], $0xffff  }
0x14a: {  	v53 =	vld.idx.msk [tilespmem:v53+s12+$0x0], $0xffff  }
0x14b: {  	v54 =	vld.idx.msk [tilespmem:v60+s12+$0x0], $0xffff  }
0x14c: {  	v55 =	vld.idx.msk [tilespmem:v61+s12+$0x0], $0xffff  }
0x14d: {  	v56 =	vld.idx.msk [tilespmem:v62+s12+$0x0], $0xffff  }
0x14e: {  	v57 =	vld.idx.msk [tilespmem:v63+s12+$0x0], $0xffff  }
0x14f: {  	[tilespmem:s23+$0x12CB0] =	vst.add.f32.msk $0xffff, v50  }
0x150: {  	[tilespmem:s23+$0x12C70] =	vst.add.f32.msk $0xffff, v53  }
0x151: {  	[tilespmem:s23+$0x12CA0] =	vst.add.f32.msk $0xffff, v54  }
0x152: {  	[tilespmem:s23+$0x12C80] =	vst.add.f32.msk $0xffff, v52;
	v50 =	vadd.s32 v47, v49  }
0x153: {  	[tilespmem:s23+$0x12C50] =	vst.add.f32.msk $0xffff, v55;
	v53 =	vadd.s32 v45, v49  }
0x154: {  	v60 =	vadd.s32 v42, v49;
	[tilespmem:s23+$0x12CC0] =	vst.add.f32.msk $0xffff, v51  }
0x155: {  	v61 =	vadd.s32 v46, v49;
	[tilespmem:s23+$0x12C60] =	vst.add.f32.msk $0xffff, v57  }
0x156: {  	v62 =	vadd.s32 v41, v49;
	[tilespmem:s23+$0x12C90] =	vst.add.f32.msk $0xffff, v56  }
0x157: {  	v63 =	vadd.s32 v44, v49;
	v52 =	vld.idx.msk [tilespmem:v50+s12+$0x0], $0xffff  }
0x158: {  	v58 =	vadd.s32 v40, v49;
	v54 =	vld.idx.msk [tilespmem:v53+s12+$0x0], $0xffff  }
0x159: {  	v49 =	vadd.s32 v43, v49;
	v50 =	vld.idx.msk [tilespmem:v60+s12+$0x0], $0xffff  }
0x15a: {  	v53 =	vld.idx.msk [tilespmem:v61+s12+$0x0], $0xffff  }
0x15b: {  	v55 =	vld.idx.msk [tilespmem:v62+s12+$0x0], $0xffff  }
0x15c: {  	v51 =	vld.idx.msk [tilespmem:v63+s12+$0x0], $0xffff  }
0x15d: {  	s26 =	simm.s32 $0x1;
	s24 =	sor.u32 $0x10, s22;
	s25 =	simm.s32 $0xC00;
	v56 =	vld.idx.msk [tilespmem:v58+s12+$0x0], $0xffff  }
.LBB2_5:
0x15e: {  	v57 =	vmov s26;
	p1 =	sne.s32 s25, $0xB400;
	v58 =	vld.idx.msk [tilespmem:v49+s12+$0x0], $0xffff;
	s28 =	smov.u32 s25;
	s25 =	sadd.s32 $0xC00, s25  }
0x15f: {  	v49 =	vperm.xlane v48, v57;
	[tilespmem:s23+$0x12D40] =	vst.add.f32.msk $0xffff, v52  }
0x160: {  	[tilespmem:s23+$0x12D20] =	vst.add.f32.msk $0xffff, v54  }
0x161: {  	v52 =	vadd.s32 v0, v49;
	[tilespmem:s23+$0x12CE0] =	vst.add.f32.msk $0xffff, v55  }
0x162: {  	v54 =	vadd.s32 v1, v49;
	[tilespmem:s23+$0x12D30] =	vst.add.f32.msk $0xffff, v53  }
0x163: {  	v53 =	vadd.s32 v2, v49;
	[tilespmem:s23+$0x12CD0] =	vst.add.f32.msk $0xffff, v56  }
0x164: {  	v55 =	vadd.s32 v3, v49;
	[tilespmem:s23+$0x12D10] =	vst.add.f32.msk $0xffff, v51  }
0x165: {  	v51 =	vadd.s32 v4, v49;
	[tilespmem:s23+$0x12CF0] =	vst.add.f32.msk $0xffff, v50  }
0x166: {  	v50 =	vadd.s32 v5, v49;
	[tilespmem:s23+$0x12D00] =	vst.add.f32.msk $0xffff, v58  }
0x167: {  	v54 =	vld.idx.msk [tilespmem:v54+s12+$0x0], $0xffff  }
0x168: {  	v53 =	vld.idx.msk [tilespmem:v53+s12+$0x0], $0xffff  }
0x169: {  	v56 =	vadd.s32 v7, v49;
	v55 =	vld.idx.msk [tilespmem:v55+s12+$0x0], $0xffff  }
0x16a: {  	v57 =	vadd.s32 v6, v49;
	v51 =	vld.idx.msk [tilespmem:v51+s12+$0x0], $0xffff  }
0x16b: {  	v50 =	vld.idx.msk [tilespmem:v50+s12+$0x0], $0xffff  }
0x16c: {  	v52 =	vld.idx.msk [tilespmem:v52+s12+$0x0], $0xffff;
	_ =	sdelay $0x1  }
0x16d: {  	v56 =	vld.idx.msk [tilespmem:v56+s12+$0x0], $0xffff  }
0x16e: {  	s23 =	sshra.s32 s28, $0x2;
	v57 =	vld.idx.msk [tilespmem:v57+s12+$0x0], $0xffff  }
0x16f: {  	[tilespmem:s23+$0x12A60] =	vst.add.f32.msk $0xffff, v54  }
0x170: {  	[tilespmem:s23+$0x12AA0] =	vst.add.f32.msk $0xffff, v50;
	v50 =	vadd.s32 v10, v49  }
0x171: {  	[tilespmem:s23+$0x12A50] =	vst.add.f32.msk $0xffff, v52  }
0x172: {  	[tilespmem:s23+$0x12A90] =	vst.add.f32.msk $0xffff, v51;
	v51 =	vadd.s32 v8, v49  }
0x173: {  	v52 =	vadd.s32 v9, v49;
	[tilespmem:s23+$0x12A80] =	vst.add.f32.msk $0xffff, v55  }
0x174: {  	[tilespmem:s23+$0x12A70] =	vst.add.f32.msk $0xffff, v53  }
0x175: {  	v53 =	vadd.s32 v11, v49;
	[tilespmem:s23+$0x12AC0] =	vst.add.f32.msk $0xffff, v56  }
0x176: {  	v54 =	vadd.s32 v12, v49;
	[tilespmem:s23+$0x12AB0] =	vst.add.f32.msk $0xffff, v57  }
0x177: {  	v55 =	vadd.s32 v13, v49;
	v51 =	vld.idx.msk [tilespmem:v51+s12+$0x0], $0xffff  }
0x178: {  	v56 =	vadd.s32 v14, v49;
	v52 =	vld.idx.msk [tilespmem:v52+s12+$0x0], $0xffff  }
0x179: {  	v57 =	vadd.s32 v15, v49;
	v50 =	vld.idx.msk [tilespmem:v50+s12+$0x0], $0xffff  }
0x17a: {  	v53 =	vld.idx.msk [tilespmem:v53+s12+$0x0], $0xffff  }
0x17b: {  	v54 =	vld.idx.msk [tilespmem:v54+s12+$0x0], $0xffff  }
0x17c: {  	v55 =	vld.idx.msk [tilespmem:v55+s12+$0x0], $0xffff  }
0x17d: {  	v56 =	vld.idx.msk [tilespmem:v56+s12+$0x0], $0xffff  }
0x17e: {  	v57 =	vld.idx.msk [tilespmem:v57+s12+$0x0], $0xffff  }
0x17f: {  	[tilespmem:s23+$0x12AE0] =	vst.add.f32.msk $0xffff, v52  }
0x180: {  	[tilespmem:s23+$0x12B00] =	vst.add.f32.msk $0xffff, v53  }
0x181: {  	[tilespmem:s23+$0x12AD0] =	vst.add.f32.msk $0xffff, v51  }
0x182: {  	v51 =	vadd.s32 v20, v49;
	[tilespmem:s23+$0x12B10] =	vst.add.f32.msk $0xffff, v54  }
0x183: {  	v52 =	vadd.s32 v21, v49;
	[tilespmem:s23+$0x12B20] =	vst.add.f32.msk $0xffff, v55  }
0x184: {  	v53 =	vadd.s32 v22, v49;
	[tilespmem:s23+$0x12B30] =	vst.add.f32.msk $0xffff, v56  }
0x185: {  	v54 =	vadd.s32 v19, v49;
	[tilespmem:s23+$0x12B40] =	vst.add.f32.msk $0xffff, v57  }
0x186: {  	[tilespmem:s23+$0x12AF0] =	vst.add.f32.msk $0xffff, v50;
	v50 =	vadd.s32 v17, v49  }
0x187: {  	v55 =	vadd.s32 v23, v49;
	v51 =	vld.idx.msk [tilespmem:v51+s12+$0x0], $0xffff  }
0x188: {  	v56 =	vadd.s32 v18, v49;
	v52 =	vld.idx.msk [tilespmem:v52+s12+$0x0], $0xffff  }
0x189: {  	v57 =	vadd.s32 v16, v49;
	v53 =	vld.idx.msk [tilespmem:v53+s12+$0x0], $0xffff  }
0x18a: {  	v54 =	vld.idx.msk [tilespmem:v54+s12+$0x0], $0xffff  }
0x18b: {  	v50 =	vld.idx.msk [tilespmem:v50+s12+$0x0], $0xffff  }
0x18c: {  	v55 =	vld.idx.msk [tilespmem:v55+s12+$0x0], $0xffff  }
0x18d: {  	v56 =	vld.idx.msk [tilespmem:v56+s12+$0x0], $0xffff  }
0x18e: {  	v57 =	vld.idx.msk [tilespmem:v57+s12+$0x0], $0xffff  }
0x18f: {  	[tilespmem:s23+$0x12B90] =	vst.add.f32.msk $0xffff, v51  }
0x190: {  	[tilespmem:s23+$0x12B80] =	vst.add.f32.msk $0xffff, v54  }
0x191: {  	[tilespmem:s23+$0x12BB0] =	vst.add.f32.msk $0xffff, v53  }
0x192: {  	v51 =	vadd.s32 v29, v49;
	[tilespmem:s23+$0x12BC0] =	vst.add.f32.msk $0xffff, v55  }
0x193: {  	v53 =	vadd.s32 v25, v49;
	[tilespmem:s23+$0x12B70] =	vst.add.f32.msk $0xffff, v56  }
0x194: {  	v54 =	vadd.s32 v30, v49;
	[tilespmem:s23+$0x12B50] =	vst.add.f32.msk $0xffff, v57  }
0x195: {  	[tilespmem:s23+$0x12B60] =	vst.add.f32.msk $0xffff, v50;
	v50 =	vadd.s32 v26, v49  }
0x196: {  	[tilespmem:s23+$0x12BA0] =	vst.add.f32.msk $0xffff, v52;
	v52 =	vadd.s32 v31, v49  }
0x197: {  	v55 =	vadd.s32 v27, v49;
	v51 =	vld.idx.msk [tilespmem:v51+s12+$0x0], $0xffff  }
0x198: {  	v56 =	vadd.s32 v24, v49;
	v53 =	vld.idx.msk [tilespmem:v53+s12+$0x0], $0xffff  }
0x199: {  	v57 =	vadd.s32 v28, v49;
	v54 =	vld.idx.msk [tilespmem:v54+s12+$0x0], $0xffff  }
0x19a: {  	v50 =	vld.idx.msk [tilespmem:v50+s12+$0x0], $0xffff  }
0x19b: {  	v52 =	vld.idx.msk [tilespmem:v52+s12+$0x0], $0xffff  }
0x19c: {  	v55 =	vld.idx.msk [tilespmem:v55+s12+$0x0], $0xffff  }
0x19d: {  	v56 =	vld.idx.msk [tilespmem:v56+s12+$0x0], $0xffff  }
0x19e: {  	v57 =	vld.idx.msk [tilespmem:v57+s12+$0x0], $0xffff  }
0x19f: {  	[tilespmem:s23+$0x12BE0] =	vst.add.f32.msk $0xffff, v53  }
0x1a0: {  	[tilespmem:s23+$0x12C20] =	vst.add.f32.msk $0xffff, v51  }
0x1a1: {  	[tilespmem:s23+$0x12C40] =	vst.add.f32.msk $0xffff, v52  }
0x1a2: {  	v51 =	vadd.s32 v38, v49;
	[tilespmem:s23+$0x12C30] =	vst.add.f32.msk $0xffff, v54  }
0x1a3: {  	[tilespmem:s23+$0x12BF0] =	vst.add.f32.msk $0xffff, v50;
	v50 =	vadd.s32 v39, v49  }
0x1a4: {  	v52 =	vadd.s32 v35, v49;
	[tilespmem:s23+$0x12C10] =	vst.add.f32.msk $0xffff, v57  }
0x1a5: {  	v53 =	vadd.s32 v34, v49;
	[tilespmem:s23+$0x12C00] =	vst.add.f32.msk $0xffff, v55  }
0x1a6: {  	v54 =	vadd.s32 v37, v49;
	[tilespmem:s23+$0x12BD0] =	vst.add.f32.msk $0xffff, v56  }
0x1a7: {  	v55 =	vadd.s32 v32, v49;
	v51 =	vld.idx.msk [tilespmem:v51+s12+$0x0], $0xffff  }
0x1a8: {  	v56 =	vadd.s32 v36, v49;
	v50 =	vld.idx.msk [tilespmem:v50+s12+$0x0], $0xffff  }
0x1a9: {  	v57 =	vadd.s32 v33, v49;
	v52 =	vld.idx.msk [tilespmem:v52+s12+$0x0], $0xffff  }
0x1aa: {  	v53 =	vld.idx.msk [tilespmem:v53+s12+$0x0], $0xffff  }
0x1ab: {  	v54 =	vld.idx.msk [tilespmem:v54+s12+$0x0], $0xffff  }
0x1ac: {  	v55 =	vld.idx.msk [tilespmem:v55+s12+$0x0], $0xffff  }
0x1ad: {  	v56 =	vld.idx.msk [tilespmem:v56+s12+$0x0], $0xffff  }
0x1ae: {  	v57 =	vld.idx.msk [tilespmem:v57+s12+$0x0], $0xffff  }
0x1af: {  	[tilespmem:s23+$0x12CB0] =	vst.add.f32.msk $0xffff, v51  }
0x1b0: {  	[tilespmem:s23+$0x12C70] =	vst.add.f32.msk $0xffff, v53  }
0x1b1: {  	[tilespmem:s23+$0x12CA0] =	vst.add.f32.msk $0xffff, v54  }
0x1b2: {  	v51 =	vadd.s32 v47, v49;
	[tilespmem:s23+$0x12C80] =	vst.add.f32.msk $0xffff, v52  }
0x1b3: {  	v53 =	vadd.s32 v45, v49;
	[tilespmem:s23+$0x12C50] =	vst.add.f32.msk $0xffff, v55  }
0x1b4: {  	v55 =	vadd.s32 v42, v49;
	[tilespmem:s23+$0x12C60] =	vst.add.f32.msk $0xffff, v57  }
0x1b5: {  	v57 =	vadd.s32 v46, v49;
	[tilespmem:s23+$0x12CC0] =	vst.add.f32.msk $0xffff, v50  }
0x1b6: {  	[tilespmem:s23+$0x12C90] =	vst.add.f32.msk $0xffff, v56;
	v56 =	vadd.s32 v41, v49  }
0x1b7: {  	v58 =	vadd.s32 v44, v49;
	v52 =	vld.idx.msk [tilespmem:v51+s12+$0x0], $0xffff  }
0x1b8: {  	v59 =	vadd.s32 v40, v49;
	v54 =	vld.idx.msk [tilespmem:v53+s12+$0x0], $0xffff  }
.Ltmp3:
0x1b9: {  	v49 =	vadd.s32 v43, v49;
	v50 =	vld.idx.msk [tilespmem:v55+s12+$0x0], $0xffff;
	(pc) =	sbr.rel @p1 .LBB2_5-.Ltmp3, $4  }
0x1ba: {  	v53 =	vld.idx.msk [tilespmem:v57+s12+$0x0], $0xffff  }
0x1bb: {  	v55 =	vld.idx.msk [tilespmem:v56+s12+$0x0], $0xffff  }
0x1bc: {  	v51 =	vld.idx.msk [tilespmem:v58+s12+$0x0], $0xffff  }
0x1bd: {  	s26 =	sadd.s32 $0x1, s26;
	v56 =	vld.idx.msk [tilespmem:v59+s12+$0x0], $0xffff  }
0x1be: {  	_ =	sdelay $0x3  }
0x1bf: {  	v48 =	vld.idx.msk [tilespmem:v49+s12+$0x0], $0xffff  }
0x1c0: {  	[tilespmem:s23+$0x12D40] =	vst.add.f32.msk $0xffff, v52  }
0x1c1: {  	[tilespmem:s23+$0x12D20] =	vst.add.f32.msk $0xffff, v54  }
0x1c2: {  	[tilespmem:s23+$0x12CF0] =	vst.add.f32.msk $0xffff, v50  }
0x1c3: {  	[tilespmem:s23+$0x12D30] =	vst.add.f32.msk $0xffff, v53  }
.Ltmp4:
0x1c4: {  	s24 =	sadd.s32 s3, s24;
	[tilespmem:s23+$0x12CE0] =	vst.add.f32.msk $0xffff, v55;
	(pc) =	sbr.rel @p0 .LBB2_8-.Ltmp4, $4  }
0x1c5: {  	s24 =	smul.u32 $0x60, s24;
	[tilespmem:s23+$0x12D10] =	vst.add.f32.msk $0xffff, v51  }
0x1c6: {  	[tilespmem:s23+$0x12CD0] =	vst.add.f32.msk $0xffff, v56  }
0x1c7: {  	s31 =	sadd.s32 s2, s24;
	[tilespmem:s23+$0x12D00] =	vst.add.f32.msk $0xffff, v48  }
0x1c8: {  	[hbm4b:s31+s4] =	stream.linear.scatter [tilespmem:s15], [sflag:$0x4], $0x3000, $0x38;
	[tilespmem:$0x15A50] =	vst v63  }
.Ltmp5:
0x1c9: {  	(pc) =	sbr.rel .LBB2_2-.Ltmp5, $4  }
0x1ca: {  	_ =	swait.ge [sflag:s19], $0x3000  }
0x1cb: {  	s22 =	sand.u32 $0x3FFFFFE0, s22;
	[sflag:s19] =	ssyncset.done $0x0  }
0x1cc: {  	s21 =	sadd.s32 $0x1, s21;
	s22 =	sadd.s32 $0x30, s22;
	[sflag:s19] =	ssyncadd.s32 $0xFFFFD000  }
0x1cd: {  	[tilespmem:s15], [sflag:$0x2] =	stream.indirect.gather [hbm4b:s5+s13], $0x300, s22, s13, $0xb8;
	[tilespmem:$0x15A50] =	vst v63  }
.LBB2_9:
0x1ce: {  	_ =	sfence.sel $0x180000  }
0x1cf: {  	[bflag:$0x0] =	sbarrier.arrive $0xFFFF  }
0x1d0: {  	p0 =	sne.s32 s0, $0x0;
	_ =	strace $0x90000047  }
0x1d1: {  	s0 =	sadd.s32 @!p0 $0x100000, s1;
	[bflag:$0x2] =	sbarrier.arrive $0xFFFF  }
0x1d2: {  	[sflag:s0] =	ssyncadd.tile.s32 @!p0 $0x1;
	_ =	shalt  }
.Lfunc_end2:
_tile_overlayer_lowered:
.L_overlay_start_2:
0x1d3: {  	(tag) =	ssettag $0x2  }
0x1d4: {  	s0 =	rddreg [dreg:$0x0];
	s2 =	stileid.u32  }
0x1d5: {  	s1 =	rddreg [dreg:$0x1];
	p0 =	sne.s32 s2, $0x0  }
0x1d6: {  	s3 =	rddreg [dreg:$0x2];
	[bflag:$0x3] =	sbarrier.arrive $0xFFFF;
	s2 =	simm.s32 @!p0 $0x1C05  }
0x1d7: {  	[timem:s3], [sflag:s2] =	dma.local @!p0 [hbm:s0], s1  }
0x1d8: {  	s0 =	simm.s32 @!p0 $0x5  }
0x1d9: {  	_ =	swait.ge @!p0 [sflag:s0], s1  }
0x1da: {  	s1 =	ssub.s32 @!p0 $0x0, s1;
	[sflag:s0] =	ssyncset.done @!p0 $0x0  }
0x1db: {  	[sflag:s0] =	ssyncadd.s32 @!p0 s1  }
0x1dc: {  	[bflag:$0x3] =	sbarrier.arrive $0xFFFF  }
0x1dd: {  	_ =	shalt  }

// kernel: sparse-core-data-format-call.cloned.1.call-start
scs
called_computation_lowered:
.L_overlay_start_0:
0x0: {  	s2 =	sld [smem:$0x3FD9]  }
0x1: {  	s3 =	sld [smem:$0x3FFE];
	_ =	sdelay $0x1  }
0x2: {  	s1 =	srdreg.scid  }
0x3: {  	s0 =	sand.u32 $0x1, s1  }
0x4: {  	s18 =	sshll.u32 s0, $0xA;
	s2 =	sadd.s32 s3, s2  }
0x5: {  	s2 =	sadd.s32 s2, s18  }
0x6: {  	[smem:$0x3FC4] =	sst s2  }
0x7: {  	_ = 	snop  }
0x8: {  	s2 =	sld [smem:$0x3FD0];
	(tm) =	ssettm $0x1  }
0x9: {  	s19 =	sld [smem:$0x3FFB];
	_ =	sdelay $0x3  }
0xa: {  	_ =	strace s19  }
0xb: {  	s3 =	sld [smem:$0x3FFC];
	_ =	sdelay $0x3  }
0xc: {  	_ =	strace s3  }
0xd: {  	s3 =	sld [smem:$0x3FFD];
	_ =	sdelay $0x3  }
0xe: {  	_ =	strace s3  }
0xf: {  	_ =	strace $0x8FFFFFFF  }
0x10: {  	s20 =	sld [smem:$0x3FDB];
	_ =	sdelay $0x1  }
0x11: {  	s4 =	simm.s32 $_scs_section_size  }
0x12: {  	s5 =	simm.s32 $_size__tile_overlayer_lowered;
	s6 =	simm.s32 $_tile_overlayer_lowered  }
0x13: {  	s23 =	simm.s32 $0x1BFF;
	s22 =	sshll.u32 s6, $0x1;
	s3 =	sadd.s32 s4, s20  }
0x14: {  	s7 =	simm.s32 $0x0;
	s21 =	sshll.u32 s5, $0x1;
	s5 =	sadd.s32 s22, s3  }
0x15: {  	[timem:s7], [sflag:s23] =	dma.local [hbm:s5], s21  }
0x16: {  	_ =	swait.ge [sflag:s23], s21  }
0x17: {  	s4 =	ssub.s32 $0x0, s21;
	[sflag:s23] =	ssyncset.done $0x0  }
0x18: {  	[sflag:s23] =	ssyncadd.s32 s4;
	_ =	sdelay $0x1  }
0x19: {  	s24 =	simm.s32 $0x1B8B  }
0x1a: {  	_ =	swait.ge [sflag:s24], $0x1  }
0x1b: {  	[sflag:s24] =	ssyncset.done $0x0  }
0x1c: {  	s26 =	simm.s32 $0x1B8E;
	s25 =	sld [smem:$0x3FFE];
	[sflag:s24] =	ssyncadd.s32 $0xFFFFFFFF  }
0x1d: {  	s27 =	simm.s32 $execute0_lowered;
	[smem:$0x3FD2] =	sst s26  }
0x1e: {  	s5 =	sshll.u32 s27, $0x1;
	_ =	strace $0x80000049;
	[dreg:$0x1] =	wrdreg $0xFFFFFFFF  }
0x1f: {  	s28 =	simm.s32 $_size_execute0_lowered;
	s3 =	sadd.s32 s3, s5;
	[dreg:$0x0] =	wrdreg $0x0  }
0x20: {  	s5 =	sshll.u32 s28, $0x1;
	[dreg:$0x2] =	wrdreg s3  }
0x21: {  	[dreg:$0x3] =	wrdreg s5  }
0x22: {  	[dreg:$0x4] =	wrdreg $0xC0  }
0x23: {  	_ =	task [dreg:s7], $0x5FFFF  }
0x24: {  	[dreg:$0x1] =	wrdreg $0xFFFFFFFF  }
0x25: {  	[dreg:$0x0] =	wrdreg $0x60  }
0x26: {  	[dreg:$0x2] =	wrdreg s25  }
0x27: {  	[dreg:$0x3] =	wrdreg s2  }
0x28: {  	[dreg:$0x4] =	wrdreg $0x9  }
0x29: {  	_ =	task.clear_ibuf [dreg:s7], $0x5FFFF;
	_ =	strace $0x90000049  }
0x2a: {  	s29 =	simm.s32 $0x9;
	_ =	strace $0x8000004B  }
0x2b: {  	_ =	swait.ge [sflag:s29], $0x1  }
0x2c: {  	[sflag:s29] =	ssyncadd.s32 $0xFFFFFFFF  }
0x2d: {  	_ =	strace $0x9000004B  }
0x2e: {  	_ =	sfence  }
0x2f: {  	s30 =	sld [smem:$0x0];
	_ =	sdelay $0x2  }
0x30: {  	s31 =	sshll.u32 s1, $0xD;
	s1 =	sshrl.u32 s1, $0x2  }
0x31: {  	s3 =	sand.u32 $0x4000, s31;
	s1 =	sadd.s32 s1, s30  }
0x32: {  	s0 =	sor.u32 s3, s0;
	s1 =	sshll.u32 s1, $0x11  }
0x33: {  	s0 =	sor.u32 s1, s0  }
0x34: {  	s0 =	sadd.s32 $0x8F2B, s0  }
0x35: {  	[sflag:s0] =	ssyncadd.remote.s32 $0x1  }
0x36: {  	_ =	sfence.sel $0xFFFF  }
0x37: {  	[dreg:$0x0] =	wrdreg $0xFFFFFFFF;
	(pc) =	sbr.abs _section_cstart, $3  }
0x38: {  	[dreg:$0x1] =	wrdreg $0xFFFFFFFF  }
0x39: {  	_ =	task.clear_ibuf [dreg:s7], $0x2FFFF;
	_ =	strace $0x9FFFFFFF  }
0x3a: {  	(tm) =	ssettm $0x7FFFFFFF  }
0x3b: {  	_ =	shalt  }
tec
execute0_lowered:
.L_overlay_start_1:
0x0: {  	(tag) =	ssettag $0x1  }
0x1: {  	s0 =	stileid.u32  }
0x2: {  	s1 =	srdreg.scid;
	s2 =	sshll.u32 s0, $0x7  }
0x3: {  	s7 =	rddreg [dreg:$0x0];
	s3 =	sshll.u32 s1, $0x4;
	s1 =	sand.u32 $0x380, s2  }
0x4: {  	s8 =	simm.s32 $0x2;
	s30 =	sand.u32 $0x10, s3;
	s31 =	ssub.s32 $0x400, s1  }
0x5: {  	s16 =	simm.s32 $0x0;
	s2 =	sor.u32 s0, s30;
	s4 =	sand.u32 $0x380, s31  }
0x6: {  	s2 =	sshrl.u32 s2, $0x3;
	p0 =	sne.s32 s4, $0x0;
	s4 =	simm.s32 $0x1  }
0x7: {  	s3 =	sshrl.u32 s31, $0xA;
	s5 =	ssub.s32 $0x50, s2;
	s4 =	simm.s32 @!p0 $0x0  }
0x8: {  	s9 =	simm.s32 $0x1800;
	s5 =	sshrl.u32 s5, $0x2;
	s3 =	sadd.s32 s4, s3  }
0x9: {  	s10 =	simm.s32 $0x0;
	s15 =	simm.s32 $0x0;
	s6 =	smul.u32 s3, s5  }
.Ltmp0:
0xa: {  	s17 =	simm.s32 $0x0;
	s4 =	rddreg [dreg:$0x1];
	(pc) =	sbr.rel .LBB1_1-.Ltmp0, $4  }
0xb: {  	s11 =	simm.s32 $0x0;
	s14 =	simm.s32 $0x0;
	s3 =	rddreg [dreg:$0x2]  }
0xc: {  	_ =	strace $0x8000004A;
	s5 =	simm.s32 $0x1;
	s6 =	smul.u32 $0x6, s6  }
0xd: {  	s7 =	sadd.s32 $0x800, s7;
	s13 =	smov.u32 s1;
	[sflag:s5] =	ssyncpa.u1 $0x0  }
0xe: {  	s12 =	smov.u32 s2;
	[sflag:s8] =	ssyncpa.u1 $0x0;
	s8 =	sor.u32 $0x1, s6  }
.LBB1_4:
0xf: {  	_ =	sdelay $0x2  }
0x10: {  	s21 =	sshrl.u32 s17, $0x3  }
0x11: {  	[tilespmem:v0+s20+$0xFFFFFFD0 ss:$0x1] =	vst.idx.msk $0xffff, v7;
	s22 =	sshll.u32 s16, $0x3;
	s21 =	smul.u32 $0x1800, s21  }
0x12: {  	v56 =	vld.idx.msk [tilespmem:v1+s19+$0x0 ss:$0x1], $0xffff;
	[tilespmem:v0+s20+$0xFFFFFFE0 ss:$0x1] =	vst.idx.msk $0xffff, v5;
	s27 =	sshll.u32 s17, $0x7;
	s22 =	sand.u32 $0xFFFFFC00, s22  }
0x13: {  	v57 =	vld.idx.msk [tilespmem:v1+s19+$0xFFFFFF90 ss:$0x1], $0xffff;
	[tilespmem:v0+s20+$0xFFFFFFF0 ss:$0x1] =	vst.idx.msk $0xffff, v4;
	s17 =	sand.u32 $0x380, s27;
	s21 =	sadd.s32 s21, s22  }
0x14: {  	v58 =	vld.idx.msk [tilespmem:v1+s19+$0xFFFFFFA0 ss:$0x1], $0xffff;
	[tilespmem:v0+s20+$0x0 ss:$0x1] =	vst.idx.msk $0xffff, v2;
	s28 =	sand.u32 $0x7F, s16;
	s17 =	sor.u32 s17, s21  }
0x15: {  	v59 =	vld.idx.msk [tilespmem:v1+s19+$0xFFFFFFB0 ss:$0x1], $0xffff;
	[tilespmem:v0+s20+$0x10 ss:$0x1] =	vst.idx.msk $0xffff, v3;
	s16 =	sor.u32 s28, s17  }
0x16: {  	v60 =	vld.idx.msk [tilespmem:v1+s19+$0xFFFFFFC0 ss:$0x1], $0xffff;
	[tilespmem:v0+s20+$0x20 ss:$0x1] =	vst.idx.msk $0xffff, v6;
	s29 =	smulhi.u32 $0xAAAAAAAB, s16  }
0x17: {  	v61 =	vld.idx.msk [tilespmem:v1+s19+$0xFFFFFFD0 ss:$0x1], $0xffff;
	[tilespmem:v0+s19+$0x30 ss:$0x1] =	vst.idx.msk $0xffff, v56;
	s17 =	smulhi.u32 $0xAAAAAAAB, s17  }
0x18: {  	v62 =	vld.idx.msk [tilespmem:v1+s19+$0xFFFFFFE0 ss:$0x1], $0xffff;
	[tilespmem:v0+s19+$0xFFFFFFC0 ss:$0x1] =	vst.idx.msk $0xffff, v57;
	s20 =	sshrl.u32 s29, $0x9  }
0x19: {  	v63 =	vld.idx.msk [tilespmem:v1+s19+$0xFFFFFFF0 ss:$0x1], $0xffff;
	[tilespmem:v0+s19+$0xFFFFFFD0 ss:$0x1] =	vst.idx.msk $0xffff, v58;
	s17 =	sshrl.u32 s17, $0x9;
	s20 =	smul.u32 $0x300, s20  }
0x1a: {  	s15 =	smul.u32 $0x18000, s15;
	[tilespmem:v0+s19+$0xFFFFFFE0 ss:$0x1] =	vst.idx.msk $0xffff, v59;
	s17 =	sand.u32 $0x3FF, s17  }
0x1b: {  	[tilespmem:v0+s19+$0xFFFFFFF0 ss:$0x1] =	vst.idx.msk $0xffff, v60;
	s17 =	smul.u32 $0x60, s17;
	s16 =	ssub.s32 s16, s20  }
0x1c: {  	s15 =	sadd.s32 s4, s15;
	[tilespmem:v0+s19+$0x0 ss:$0x1] =	vst.idx.msk $0xffff, v61;
	s20 =	sand.u32 $0x7, s16  }
0x1d: {  	[tilespmem:v0+s19+$0x10 ss:$0x1] =	vst.idx.msk $0xffff, v62;
	s15 =	sadd.s32 s17, s15;
	s16 =	sshrl.u32 s16, $0x3;
	s30 =	sshll.u32 s20, $0x12  }
0x1e: {  	[tilespmem:v0+s19+$0x20 ss:$0x1] =	vst.idx.msk $0xffff, v63;
	s15 =	sadd.s32 s16, s15;
	s31 =	sor.u32 $0x400, s30  }
0x1f: {  	[hbm4b:s15+s31] =	stream.strided.scatter [tilespmem:s18], [sflag:$0x2], $0x4000, s9, s31, $0x38;
	[tilespmem:$0x10000] =	vst v63  }
.LBB1_5:
0x20: {  	s18 =	sadd.s32 $0x80, s11  }
0x21: {  	s15 =	sadd.s32 $0x4, s12;
	s19 =	smov.u32 s12;
	p1 =	sgt.s32 s18, $0x2FF  }
0x22: {  	s19 =	smov.u32 @p1 s15  }
0x23: {  	s21 =	smov.u32 s13;
	s15 =	sadd.s32 $0x400, s13;
	p2 =	sgt.s32 s19, $0x4C  }
0x24: {  	s21 =	smov.u32 @p2 s15  }
0x25: {  	s18 =	simm.s32 @p1 $0x0;
	p1 =	sgt.s32 s21, $0x3FF  }
0x26: {  	p0 =	slt.u32 s14, $0x2;
	s21 =	smov.u32 @p1 s1;
	p1 =	sne.s32 s14, s8  }
.Ltmp1:
0x27: {  	s20 =	simm.s32 @!p0 $0x2;
	(pc) =	sbr.rel @!p1 .LBB1_6-.Ltmp1, $4  }
0x28: {  	s16 =	smov.u32 s11;
	s17 =	smov.u32 s13;
	_ =	swait.ge @!p0 [sflag:s20], $0x4000  }
0x29: {  	s10 =	sadd.s32 $0x4000, s10;
	[sflag:s20] =	ssyncset.done @!p0 $0x0;
	s11 =	smov.u32 s18  }
0x2a: {  	s19 =	smov.u32 @p2 s2;
	s15 =	smov.u32 s12;
	[sflag:s20] =	ssyncadd.s32 @!p0 $0xFFFFC000  }
0x2b: {  	s12 =	smov.u32 s19;
	s14 =	sadd.s32 $0x1, s14;
	s13 =	smov.u32 s21  }
.LBB1_1:
0x2c: {  	p0 =	sge.u32 s14, s6  }
0x2d: {  	s18 =	sshrl.u32 @!p0 s12, $0x3  }
0x2e: {  	s19 =	sshll.u32 @!p0 s11, $0x3;
	s18 =	smul.u32 @!p0 $0x1800, s18  }
0x2f: {  	s20 =	sshll.u32 @!p0 s12, $0x7;
	s19 =	sand.u32 @!p0 $0xFFFFFC00, s19  }
0x30: {  	s18 =	sadd.s32 @!p0 s18, s19;
	s19 =	sand.u32 @!p0 $0x380, s20  }
0x31: {  	s18 =	sor.u32 @!p0 s19, s18  }
0x32: {  	s19 =	sand.u32 @!p0 $0x7F, s11;
	s20 =	smulhi.u32 @!p0 $0xAAAAAAAB, s18  }
0x33: {  	s18 =	sor.u32 @!p0 s19, s18  }
0x34: {  	s19 =	smulhi.u32 @!p0 $0xAAAAAAAB, s18;
	s20 =	sshrl.u32 @!p0 s20, $0x9  }
0x35: {  	s21 =	smulhi.u32 @!p0 $0x3333334, s20;
	_ =	sdelay $0x1  }
0x36: {  	s19 =	sshrl.u32 @!p0 s19, $0x9;
	s21 =	smul.u32 @!p0 $0x50, s21  }
0x37: {  	s31 =	sadd.s32 $0xFFFFFFFF, s14;
	s19 =	smul.u32 @!p0 $0x300, s19  }
0x38: {  	s22 =	sxor.u32 @!p0 $0xFFFFFFFF, s14;
	s20 =	ssub.s32 @!p0 s20, s21;
	s21 =	smul.u32 @!p0 $0x1E00, s13  }
0x39: {  	s22 =	sshll.u32 @!p0 s22, $0xE;
	s18 =	ssub.s32 @!p0 s18, s19;
	s19 =	smul.u32 @!p0 $0x60, s20  }
0x3a: {  	s20 =	sand.u32 @!p0 $0x4000, s22;
	s22 =	sand.u32 @!p0 $0x7, s18;
	s21 =	sadd.s32 @!p0 s7, s21  }
0x3b: {  	s18 =	sshrl.u32 @!p0 s18, $0x3;
	s19 =	sadd.s32 @!p0 s19, s21;
	s21 =	sshll.u32 @!p0 s22, $0x12  }
0x3c: {  	s18 =	sadd.s32 @!p0 s18, s19;
	s19 =	sor.u32 @!p0 $0x80, s21;
	s21 =	simm.s32 @!p0 $0xF000  }
0x3d: {  	[tilespmem:s20], [sflag:$0x1] =	stream.strided.gather @!p0 [hbm4b:s18+s19], $0x4000, s21, s19, $0x38;
	[tilespmem:$0x10000] =	vst v63  }
0x3e: {  	p0 =	sge.u32 s31, s6  }
.Ltmp2:
0x3f: {  	_ = 	snop;
	(pc) =	sbr.rel @p0 .LBB1_5-.Ltmp2, $1  }
0x40: {  	_ =	sdelay $0x3  }
0x41: {  	s18 =	sand.u32 $0x4000, s10  }
0x42: {  	s19 =	sor.u32 $0x70, s18  }
0x43: {  	v1 =	vmov s19;
	_ =	sdelay $0x1  }
0x44: {  	_ =	swait.ge [sflag:s5], $0x4000  }
0x45: {  	[sflag:s5] =	ssyncset.done $0x0  }
0x46: {  	s20 =	simm.s32 $0x0;
	[sflag:s5] =	ssyncadd.s32 $0xFFFFC000  }
0x47: {  	s18 =	sor.u32 $0x8040, s18;
	v6 =	vld.idx.msk [tilespmem:v1+s20+$0x0 ss:$0x1], $0xffff  }
0x48: {  	v0 =	vmov s18;
	v8 =	vld.idx.msk [tilespmem:v1+s20+$0xFFFFFF90 ss:$0x1], $0xffff  }
0x49: {  	v7 =	vld.idx.msk [tilespmem:v1+s20+$0xFFFFFFA0 ss:$0x1], $0xffff  }
0x4a: {  	v5 =	vld.idx.msk [tilespmem:v1+s20+$0xFFFFFFB0 ss:$0x1], $0xffff  }
0x4b: {  	v4 =	vld.idx.msk [tilespmem:v1+s20+$0xFFFFFFC0 ss:$0x1], $0xffff  }
0x4c: {  	s31 =	sshll.u32 s14, $0xE;
	v2 =	vld.idx.msk [tilespmem:v1+s20+$0xFFFFFFD0 ss:$0x1], $0xffff  }
0x4d: {  	s18 =	sand.u32 $0x4000, s31;
	v3 =	vld.idx.msk [tilespmem:v1+s20+$0xFFFFFFE0 ss:$0x1], $0xffff;
	[tilespmem:v0+s20+$0x30 ss:$0x1] =	vst.idx.msk $0xffff, v6  }
0x4e: {  	s21 =	simm.s32 $0x400;
	s19 =	simm.s32 $0x80;
	s18 =	sor.u32 $0x8000, s18;
	[tilespmem:v0+s20+$0xFFFFFFC0 ss:$0x1] =	vst.idx.msk $0xffff, v8;
	v6 =	vld.idx.msk [tilespmem:v1+s20+$0xFFFFFFF0 ss:$0x1], $0xffff  }
.LBB1_3:
0x4f: {  	p0 =	sne.s32 s21, $0xFE00;
	v8 =	vld.idx.msk [tilespmem:v1+s19+$0x0 ss:$0x1], $0xffff;
	[tilespmem:v0+s20+$0xFFFFFFD0 ss:$0x1] =	vst.idx.msk $0xffff, v7  }
0x50: {  	v9 =	vld.idx.msk [tilespmem:v1+s19+$0xFFFFFF90 ss:$0x1], $0xffff;
	[tilespmem:v0+s20+$0xFFFFFFE0 ss:$0x1] =	vst.idx.msk $0xffff, v5  }
0x51: {  	v7 =	vld.idx.msk [tilespmem:v1+s19+$0xFFFFFFA0 ss:$0x1], $0xffff;
	[tilespmem:v0+s20+$0xFFFFFFF0 ss:$0x1] =	vst.idx.msk $0xffff, v4  }
.Ltmp3:
0x52: {  	v5 =	vld.idx.msk [tilespmem:v1+s19+$0xFFFFFFB0 ss:$0x1], $0xffff;
	[tilespmem:v0+s20+$0x0 ss:$0x1] =	vst.idx.msk $0xffff, v2;
	(pc) =	sbr.rel @p0 .LBB1_3-.Ltmp3, $4  }
0x53: {  	v4 =	vld.idx.msk [tilespmem:v1+s19+$0xFFFFFFC0 ss:$0x1], $0xffff;
	[tilespmem:v0+s20+$0x10 ss:$0x1] =	vst.idx.msk $0xffff, v3  }
0x54: {  	v2 =	vld.idx.msk [tilespmem:v1+s19+$0xFFFFFFD0 ss:$0x1], $0xffff;
	[tilespmem:v0+s20+$0x20 ss:$0x1] =	vst.idx.msk $0xffff, v6;
	s20 =	smov.u32 s19  }
0x55: {  	v3 =	vld.idx.msk [tilespmem:v1+s20+$0xFFFFFFE0 ss:$0x1], $0xffff;
	[tilespmem:v0+s20+$0x30 ss:$0x1] =	vst.idx.msk $0xffff, v8  }
0x56: {  	s19 =	sshra.s32 s21, $0x2;
	s21 =	sadd.s32 $0x200, s21;
	[tilespmem:v0+s20+$0xFFFFFFC0 ss:$0x1] =	vst.idx.msk $0xffff, v9;
	v6 =	vld.idx.msk [tilespmem:v1+s20+$0xFFFFFFF0 ss:$0x1], $0xffff  }
.Ltmp4:
0x57: {  	_ = 	snop;
	(pc) =	sbr.rel .LBB1_4-.Ltmp4, $1  }
0x58: {  	_ =	sdelay $0x3  }
.LBB1_6:
0x59: {  	_ =	sfence.sel $0x180000  }
0x5a: {  	s1 =	simm.s32 $0x1;
	[bflag:$0x0] =	sbarrier.arrive $0xFFFF  }
0x5b: {  	s31 =	simm.s32 $0x2;
	[sflag:s1] =	ssyncpa.u1 $0x1  }
0x5c: {  	[sflag:s31] =	ssyncpa.u1 $0x1  }
0x5d: {  	p0 =	sne.s32 s0, $0x0;
	_ =	strace $0x9000004A  }
0x5e: {  	s0 =	sadd.s32 @!p0 $0x100000, s3;
	[bflag:$0x2] =	sbarrier.arrive $0xFFFF  }
0x5f: {  	[sflag:s0] =	ssyncadd.tile.s32 @!p0 $0x1;
	_ =	shalt  }
.Lfunc_end1:
_tile_overlayer_lowered:
.L_overlay_start_2:
0x60: {  	(tag) =	ssettag $0x2  }
0x61: {  	s0 =	rddreg [dreg:$0x0];
	s2 =	stileid.u32  }
0x62: {  	s1 =	rddreg [dreg:$0x1];
	p0 =	sne.s32 s2, $0x0  }
0x63: {  	s3 =	rddreg [dreg:$0x2];
	[bflag:$0x3] =	sbarrier.arrive $0xFFFF;
	s2 =	simm.s32 @!p0 $0x1C01  }
0x64: {  	[timem:s3], [sflag:s2] =	dma.local @!p0 [hbm:s0], s1  }
0x65: {  	s0 =	simm.s32 @!p0 $0x1  }
0x66: {  	_ =	swait.ge @!p0 [sflag:s0], s1  }
0x67: {  	s1 =	ssub.s32 @!p0 $0x0, s1;
	[sflag:s0] =	ssyncset.done @!p0 $0x0  }
0x68: {  	[sflag:s0] =	ssyncadd.s32 @!p0 s1  }
0x69: {  	[bflag:$0x3] =	sbarrier.arrive $0xFFFF  }
0x6a: {  	_ =	shalt  }

</sc_bundles>
